<compile_context>
chip_gen: v7x
topology: tpu7x:2x2x1
jax: 0.10.2.dev20260603
libtpu: 0.0.44.dev20260713+nightly
codegen_flags: <defaults>
</compile_context>

<pallas_src>
import functools

import jax
import jax.numpy as jnp
from jax import lax
from jax.experimental import pallas as pl
from jax.experimental.pallas import tpu as pltpu
from jax.experimental.pallas import tpu_sc as plsc

B = 16
R = 64
C = 256
N = 32768
S = R * R

NC = 2
NS = 16
L = 16

BPC = B // NC
NCH = C // NS
SSTRIP = 2048

_mesh = plsc.VectorSubcoreMesh(
    core_axis_name="c", subcore_axis_name="s", num_cores=NC, num_subcores=NS
)


@functools.partial(
    pl.kernel,
    out_type=jax.ShapeDtypeStruct((B * C * S,), jnp.float32),
    mesh=_mesh,
    compiler_params=pltpu.CompilerParams(
        needs_layout_passes=False, use_tc_tiling_on_sc=False
    ),
    scratch_types=[
        pltpu.VMEM((NCH * S,), jnp.float32),
        pltpu.VMEM((SSTRIP, NCH), jnp.float32),
        pltpu.VMEM((SSTRIP,), jnp.int32),
        pltpu.VMEM((L,), jnp.int32),
        pltpu.VMEM((L,), jnp.int32),
    ],
)
def _sc_scatter(feats_hbm, sidx_hbm, blo_hbm, bhi_hbm, out_hbm,
                acc, fbuf, sbuf, lobuf, hibuf):
    c = lax.axis_index("c")
    s = lax.axis_index("s")
    iota = lax.broadcasted_iota(jnp.int32, (L,), 0)
    ch0 = s * NCH

    pltpu.sync_copy(blo_hbm, lobuf)
    pltpu.sync_copy(bhi_hbm, hibuf)
    lov = lobuf[...]
    hiv = hibuf[...]

    zeros = jnp.zeros((L,), jnp.float32)

    def _batch(j, carry_b):
        b = c * BPC + j
        bmask = iota == b
        lo = jnp.sum(jnp.where(bmask, lov, 0))
        hi = jnp.sum(jnp.where(bmask, hiv, 0))

        def _z(i, cy):
            for u in range(NCH):
                acc[pl.ds(u * S + i * L, L)] = zeros
            return cy

        lax.fori_loop(0, S // L, _z, 0)

        s0 = lo // SSTRIP
        s1 = (hi + SSTRIP - 1) // SSTRIP

        def _strip(si, cy):
            sbase = (s0 + si) * SSTRIP

            pltpu.sync_copy(
                feats_hbm.at[pl.ds(sbase, SSTRIP), pl.ds(ch0, NCH)], fbuf
            )
            pltpu.sync_copy(sidx_hbm.at[pl.ds(sbase, SSTRIP)], sbuf)

            def _grp(g, cy2):
                sv = sbuf[pl.ds(g * L, L)]
                p = sbase + g * L + iota
                valid = (p >= lo) & (p < hi)
                rows = g * L + iota
                allvals = []
                for u in range(NCH):
                    cols = jnp.broadcast_to(u, (L,))
                    allvals.append(plsc.load_gather(fbuf, [rows, cols]))
                for u in range(NCH):
                    plsc.addupdate_scatter(
                        acc, [sv + u * S], allvals[u], mask=valid
                    )
                return cy2

            lax.fori_loop(0, SSTRIP // L, _grp, 0)
            return cy

        lax.fori_loop(0, s1 - s0, _strip, 0)

        pltpu.sync_copy(acc, out_hbm.at[pl.ds((b * C + ch0) * S, NCH * S)])
        return carry_b

    lax.fori_loop(0, BPC, _batch, 0)


def kernel(feats, batch_idx, spatial_idx):
    bidx = batch_idx.astype(jnp.int32)
    sidx = spatial_idx.astype(jnp.int32)
    bounds = jnp.searchsorted(
        bidx, jnp.arange(B + 1, dtype=jnp.int32), side="left"
    ).astype(jnp.int32)
    out = _sc_scatter(feats, sidx, bounds[:B], bounds[1:])
    return out.reshape(B, C, R, R)

# --- scband reference (transcript-rebuilt; emitter-appended) ---
"""Pipeline reference for scband-sparse-spatial2-channel-16527034155712 (READ-ONLY COPY).

The authoritative reference and input builder live on the scoring server;
editing this copy changes nothing except your own understanding.
"""

import jax, jax.numpy as jnp
import numpy as np

B = 16
R = 64
C = 256
N = 32768

def setup_inputs(seed: int = 0) -> dict:
    key = jax.random.key(seed)
    k1, k2, k3 = jax.random.split(key, 3)
    feats = jax.random.normal(k1, (N, C), dtype=jnp.float32)
    batch_idx = jnp.sort(jax.random.randint(k2, (N,), 0, B, dtype=jnp.int64))
    spatial_idx = jax.random.randint(k3, (N,), 0, R * R, dtype=jnp.int64)
    return {"feats": feats, "batch_idx": batch_idx, "spatial_idx": spatial_idx}

def reference(feats, batch_idx, spatial_idx):
    # SparseSpatial2Channel: scatter sparse per-site features (feats at
    # coordinates (batch_idx, spatial_idx)) into a dense spatial memory,
    # then move spatial layout to channel-first dense form [B, C, H, W].
    dense = jnp.zeros((B, R * R, C), dtype=feats.dtype)
    dense = dense.at[batch_idx, spatial_idx].add(feats)
    out = dense.reshape(B, R, R, C).transpose(0, 3, 1, 2)
    return out

if __name__ == "__main__":
    import jax
    _d = setup_inputs()
    print(jax.jit(kernel)(*tuple(_d.values())))

</pallas_src>

<mosaic_0001>
#map = affine_map<(d0, d1) -> (0, 0)>
#map1 = affine_map<(d0, d1) -> (0)>
module attributes {stable_mosaic.version = 14 : i64} {
  func.func @_sc_scatter(%arg0: i32, %arg1: i32, %arg2: memref<32768x256xf32, #tpu.memory_space<hbm>>, %arg3: memref<32768xi32, #tpu.memory_space<hbm>>, %arg4: memref<16xi32, #tpu.memory_space<hbm>>, %arg5: memref<16xi32, #tpu.memory_space<hbm>>, %arg6: memref<16777216xf32, #tpu.memory_space<hbm>>, %arg7: memref<65536xf32, #tpu.memory_space<vmem>>, %arg8: memref<2048x16xf32, #tpu.memory_space<vmem>>, %arg9: memref<2048xi32, #tpu.memory_space<vmem>>, %arg10: memref<16xi32, #tpu.memory_space<vmem>>, %arg11: memref<16xi32, #tpu.memory_space<vmem>>) attributes {dimension_semantics = [#tpu.dimension_semantics<core_parallel>, #tpu.dimension_semantics<subcore_parallel>], iteration_bounds = array<i64: 2, 16>, scalar_prefetch = 0 : i64, scratch_operands = 5 : i64, tpu.core_type = #tpu.core_type<sc_vector_subcore>, window_params = [{transform_indices = #map}, {transform_indices = #map1}, {transform_indices = #map1}, {transform_indices = #map1}, {transform_indices = #map1}]} {
    %iota3A = tpu.iota {dimensions = array<i32: 0>} : vector<16xi32>
    %mul3A = arith.constant 16 : i32
    %mul3A_0 = arith.muli %arg1, %mul3A : i32
    "tpu.region"() ({
      %run_scoped3A = tpu.sem_alloc : memref<!tpu.dma_semaphore, #tpu.memory_space<semaphore_mem>>
      tpu.enqueue_dma source(%arg4 : memref<16xi32, #tpu.memory_space<hbm>>) target(%arg10 : memref<16xi32, #tpu.memory_space<vmem>>) target_semaphore(%run_scoped3A : memref<!tpu.dma_semaphore, #tpu.memory_space<semaphore_mem>>)
      tpu.wait_dma2 semaphore(%run_scoped3A : memref<!tpu.dma_semaphore, #tpu.memory_space<semaphore_mem>>) src(%arg4 : memref<16xi32, #tpu.memory_space<hbm>>) dst(%arg10 : memref<16xi32, #tpu.memory_space<vmem>>)
      tpu.yield
    }) : () -> ()
    "tpu.region"() ({
      %run_scoped3A = tpu.sem_alloc : memref<!tpu.dma_semaphore, #tpu.memory_space<semaphore_mem>>
      tpu.enqueue_dma source(%arg5 : memref<16xi32, #tpu.memory_space<hbm>>) target(%arg11 : memref<16xi32, #tpu.memory_space<vmem>>) target_semaphore(%run_scoped3A : memref<!tpu.dma_semaphore, #tpu.memory_space<semaphore_mem>>)
      tpu.wait_dma2 semaphore(%run_scoped3A : memref<!tpu.dma_semaphore, #tpu.memory_space<semaphore_mem>>) src(%arg5 : memref<16xi32, #tpu.memory_space<hbm>>) dst(%arg11 : memref<16xi32, #tpu.memory_space<vmem>>)
      tpu.yield
    }) : () -> ()
    %get3A = arith.constant 0 : index
    %get3A_1 = tpu.vector_load %arg10[%get3A] {strides = array<i32>} : memref<16xi32, #tpu.memory_space<vmem>>, vector<16xi32>,
    %get3A_2 = arith.constant 0 : index
    %get3A_3 = tpu.vector_load %arg11[%get3A_2] {strides = array<i32>} : memref<16xi32, #tpu.memory_space<vmem>>, vector<16xi32>,
    %broadcast_in_dim3A = arith.constant 0.000000e+00 : f32
    %broadcast_in_dim3A_4 = vector.broadcast %broadcast_in_dim3A : f32 to vector<16xf32>
    %scan3A = arith.constant 0 : i32
    %scan3A_5 = arith.constant 0 : i32
    %scan3A_6 = arith.constant 8 : i32
    %scan3A_7 = arith.addi %scan3A_5, %scan3A_6 : i32
    %scan3A_8 = arith.constant 1 : i32
    scf.for %scan3A_10 = %scan3A_5 to %scan3A_7 step %scan3A_8  : i32 {
      %mul3A_11 = arith.constant 8 : i32
      %mul3A_12 = arith.muli %arg0, %mul3A_11 : i32
      %add3A = arith.addi %mul3A_12, %scan3A_10 : i32
      %eq3A = vector.broadcast %add3A : i32 to vector<16xi32>
      %eq3A_13 = arith.cmpi eq, %iota3A, %eq3A : vector<16xi32>
      %jit3A = arith.constant 0 : i32
      %broadcast_in_dim3A_14 = vector.broadcast %jit3A : i32 to vector<16xi32>
      %select_n3A = arith.select %eq3A_13, %get3A_1, %broadcast_in_dim3A_14 : vector<16xi1>, vector<16xi32>
      %reduce_sum3A = arith.constant true
      %reduce_sum3A_15 = vector.broadcast %reduce_sum3A : i1 to vector<16xi1>
      %reduce_sum3A_16 = tpu.scan <sum>, %select_n3A masked %reduce_sum3A_15 : vector<16xi32>, vector<16xi1> -> vector<16xi32>
      %reduce_sum3A_17 = vector.extract %reduce_sum3A_16[15] : i32 from vector<16xi32>
      %jit3A_18 = arith.constant 0 : i32
      %broadcast_in_dim3A_19 = vector.broadcast %jit3A_18 : i32 to vector<16xi32>
      %select_n3A_20 = arith.select %eq3A_13, %get3A_3, %broadcast_in_dim3A_19 : vector<16xi1>, vector<16xi32>
      %reduce_sum3A_21 = arith.constant true
      %reduce_sum3A_22 = vector.broadcast %reduce_sum3A_21 : i1 to vector<16xi1>
      %reduce_sum3A_23 = tpu.scan <sum>, %select_n3A_20 masked %reduce_sum3A_22 : vector<16xi32>, vector<16xi1> -> vector<16xi32>
      %reduce_sum3A_24 = vector.extract %reduce_sum3A_23[15] : i32 from vector<16xi32>
      %scan3A_25 = arith.constant 0 : i32
      %scan3A_26 = arith.constant 0 : i32
      %scan3A_27 = arith.constant 256 : i32
      %scan3A_28 = arith.addi %scan3A_26, %scan3A_27 : i32
      %scan3A_29 = arith.constant 1 : i32
      scf.for %scan3A_92 = %scan3A_26 to %scan3A_28 step %scan3A_29  : i32 {
        %mul3A_93 = arith.constant 16 : i32
        %mul3A_94 = arith.muli %scan3A_92, %mul3A_93 : i32
        %add3A_95 = arith.constant 0 : i32
        %add3A_96 = arith.addi %add3A_95, %mul3A_94 : i32
        %swap3A = arith.index_cast %add3A_96 : i32 to index
        %swap3A_97 = tpu.vector_load %arg7[%swap3A] {strides = array<i32>} : memref<65536xf32, #tpu.memory_space<vmem>>, vector<16xf32>,
        tpu.vector_store %arg7[%swap3A], %broadcast_in_dim3A_4 {strides = array<i32>} : memref<65536xf32, #tpu.memory_space<vmem>>, vector<16xf32>,
        %mul3A_98 = arith.constant 16 : i32
        %mul3A_99 = arith.muli %scan3A_92, %mul3A_98 : i32
        %add3A_100 = arith.constant 4096 : i32
        %add3A_101 = arith.addi %add3A_100, %mul3A_99 : i32
        %swap3A_102 = arith.index_cast %add3A_101 : i32 to index
        %swap3A_103 = tpu.vector_load %arg7[%swap3A_102] {strides = array<i32>} : memref<65536xf32, #tpu.memory_space<vmem>>, vector<16xf32>,
        tpu.vector_store %arg7[%swap3A_102], %broadcast_in_dim3A_4 {strides = array<i32>} : memref<65536xf32, #tpu.memory_space<vmem>>, vector<16xf32>,
        %mul3A_104 = arith.constant 16 : i32
        %mul3A_105 = arith.muli %scan3A_92, %mul3A_104 : i32
        %add3A_106 = arith.constant 8192 : i32
        %add3A_107 = arith.addi %add3A_106, %mul3A_105 : i32
        %swap3A_108 = arith.index_cast %add3A_107 : i32 to index
        %swap3A_109 = tpu.vector_load %arg7[%swap3A_108] {strides = array<i32>} : memref<65536xf32, #tpu.memory_space<vmem>>, vector<16xf32>,
        tpu.vector_store %arg7[%swap3A_108], %broadcast_in_dim3A_4 {strides = array<i32>} : memref<65536xf32, #tpu.memory_space<vmem>>, vector<16xf32>,
        %mul3A_110 = arith.constant 16 : i32
        %mul3A_111 = arith.muli %scan3A_92, %mul3A_110 : i32
        %add3A_112 = arith.constant 12288 : i32
        %add3A_113 = arith.addi %add3A_112, %mul3A_111 : i32
        %swap3A_114 = arith.index_cast %add3A_113 : i32 to index
        %swap3A_115 = tpu.vector_load %arg7[%swap3A_114] {strides = array<i32>} : memref<65536xf32, #tpu.memory_space<vmem>>, vector<16xf32>,
        tpu.vector_store %arg7[%swap3A_114], %broadcast_in_dim3A_4 {strides = array<i32>} : memref<65536xf32, #tpu.memory_space<vmem>>, vector<16xf32>,
        %mul3A_116 = arith.constant 16 : i32
        %mul3A_117 = arith.muli %scan3A_92, %mul3A_116 : i32
        %add3A_118 = arith.constant 16384 : i32
        %add3A_119 = arith.addi %add3A_118, %mul3A_117 : i32
        %swap3A_120 = arith.index_cast %add3A_119 : i32 to index
        %swap3A_121 = tpu.vector_load %arg7[%swap3A_120] {strides = array<i32>} : memref<65536xf32, #tpu.memory_space<vmem>>, vector<16xf32>,
        tpu.vector_store %arg7[%swap3A_120], %broadcast_in_dim3A_4 {strides = array<i32>} : memref<65536xf32, #tpu.memory_space<vmem>>, vector<16xf32>,
        %mul3A_122 = arith.constant 16 : i32
        %mul3A_123 = arith.muli %scan3A_92, %mul3A_122 : i32
        %add3A_124 = arith.constant 20480 : i32
        %add3A_125 = arith.addi %add3A_124, %mul3A_123 : i32
        %swap3A_126 = arith.index_cast %add3A_125 : i32 to index
        %swap3A_127 = tpu.vector_load %arg7[%swap3A_126] {strides = array<i32>} : memref<65536xf32, #tpu.memory_space<vmem>>, vector<16xf32>,
        tpu.vector_store %arg7[%swap3A_126], %broadcast_in_dim3A_4 {strides = array<i32>} : memref<65536xf32, #tpu.memory_space<vmem>>, vector<16xf32>,
        %mul3A_128 = arith.constant 16 : i32
        %mul3A_129 = arith.muli %scan3A_92, %mul3A_128 : i32
        %add3A_130 = arith.constant 24576 : i32
        %add3A_131 = arith.addi %add3A_130, %mul3A_129 : i32
        %swap3A_132 = arith.index_cast %add3A_131 : i32 to index
        %swap3A_133 = tpu.vector_load %arg7[%swap3A_132] {strides = array<i32>} : memref<65536xf32, #tpu.memory_space<vmem>>, vector<16xf32>,
        tpu.vector_store %arg7[%swap3A_132], %broadcast_in_dim3A_4 {strides = array<i32>} : memref<65536xf32, #tpu.memory_space<vmem>>, vector<16xf32>,
        %mul3A_134 = arith.constant 16 : i32
        %mul3A_135 = arith.muli %scan3A_92, %mul3A_134 : i32
        %add3A_136 = arith.constant 28672 : i32
        %add3A_137 = arith.addi %add3A_136, %mul3A_135 : i32
        %swap3A_138 = arith.index_cast %add3A_137 : i32 to index
        %swap3A_139 = tpu.vector_load %arg7[%swap3A_138] {strides = array<i32>} : memref<65536xf32, #tpu.memory_space<vmem>>, vector<16xf32>,
        tpu.vector_store %arg7[%swap3A_138], %broadcast_in_dim3A_4 {strides = array<i32>} : memref<65536xf32, #tpu.memory_space<vmem>>, vector<16xf32>,
        %mul3A_140 = arith.constant 16 : i32
        %mul3A_141 = arith.muli %scan3A_92, %mul3A_140 : i32
        %add3A_142 = arith.constant 32768 : i32
        %add3A_143 = arith.addi %add3A_142, %mul3A_141 : i32
        %swap3A_144 = arith.index_cast %add3A_143 : i32 to index
        %swap3A_145 = tpu.vector_load %arg7[%swap3A_144] {strides = array<i32>} : memref<65536xf32, #tpu.memory_space<vmem>>, vector<16xf32>,
        tpu.vector_store %arg7[%swap3A_144], %broadcast_in_dim3A_4 {strides = array<i32>} : memref<65536xf32, #tpu.memory_space<vmem>>, vector<16xf32>,
        %mul3A_146 = arith.constant 16 : i32
        %mul3A_147 = arith.muli %scan3A_92, %mul3A_146 : i32
        %add3A_148 = arith.constant 36864 : i32
        %add3A_149 = arith.addi %add3A_148, %mul3A_147 : i32
        %swap3A_150 = arith.index_cast %add3A_149 : i32 to index
        %swap3A_151 = tpu.vector_load %arg7[%swap3A_150] {strides = array<i32>} : memref<65536xf32, #tpu.memory_space<vmem>>, vector<16xf32>,
        tpu.vector_store %arg7[%swap3A_150], %broadcast_in_dim3A_4 {strides = array<i32>} : memref<65536xf32, #tpu.memory_space<vmem>>, vector<16xf32>,
        %mul3A_152 = arith.constant 16 : i32
        %mul3A_153 = arith.muli %scan3A_92, %mul3A_152 : i32
        %add3A_154 = arith.constant 40960 : i32
        %add3A_155 = arith.addi %add3A_154, %mul3A_153 : i32
        %swap3A_156 = arith.index_cast %add3A_155 : i32 to index
        %swap3A_157 = tpu.vector_load %arg7[%swap3A_156] {strides = array<i32>} : memref<65536xf32, #tpu.memory_space<vmem>>, vector<16xf32>,
        tpu.vector_store %arg7[%swap3A_156], %broadcast_in_dim3A_4 {strides = array<i32>} : memref<65536xf32, #tpu.memory_space<vmem>>, vector<16xf32>,
        %mul3A_158 = arith.constant 16 : i32
        %mul3A_159 = arith.muli %scan3A_92, %mul3A_158 : i32
        %add3A_160 = arith.constant 45056 : i32
        %add3A_161 = arith.addi %add3A_160, %mul3A_159 : i32
        %swap3A_162 = arith.index_cast %add3A_161 : i32 to index
        %swap3A_163 = tpu.vector_load %arg7[%swap3A_162] {strides = array<i32>} : memref<65536xf32, #tpu.memory_space<vmem>>, vector<16xf32>,
        tpu.vector_store %arg7[%swap3A_162], %broadcast_in_dim3A_4 {strides = array<i32>} : memref<65536xf32, #tpu.memory_space<vmem>>, vector<16xf32>,
        %mul3A_164 = arith.constant 16 : i32
        %mul3A_165 = arith.muli %scan3A_92, %mul3A_164 : i32
        %add3A_166 = arith.constant 49152 : i32
        %add3A_167 = arith.addi %add3A_166, %mul3A_165 : i32
        %swap3A_168 = arith.index_cast %add3A_167 : i32 to index
        %swap3A_169 = tpu.vector_load %arg7[%swap3A_168] {strides = array<i32>} : memref<65536xf32, #tpu.memory_space<vmem>>, vector<16xf32>,
        tpu.vector_store %arg7[%swap3A_168], %broadcast_in_dim3A_4 {strides = array<i32>} : memref<65536xf32, #tpu.memory_space<vmem>>, vector<16xf32>,
        %mul3A_170 = arith.constant 16 : i32
        %mul3A_171 = arith.muli %scan3A_92, %mul3A_170 : i32
        %add3A_172 = arith.constant 53248 : i32
        %add3A_173 = arith.addi %add3A_172, %mul3A_171 : i32
        %swap3A_174 = arith.index_cast %add3A_173 : i32 to index
        %swap3A_175 = tpu.vector_load %arg7[%swap3A_174] {strides = array<i32>} : memref<65536xf32, #tpu.memory_space<vmem>>, vector<16xf32>,
        tpu.vector_store %arg7[%swap3A_174], %broadcast_in_dim3A_4 {strides = array<i32>} : memref<65536xf32, #tpu.memory_space<vmem>>, vector<16xf32>,
        %mul3A_176 = arith.constant 16 : i32
        %mul3A_177 = arith.muli %scan3A_92, %mul3A_176 : i32
        %add3A_178 = arith.constant 57344 : i32
        %add3A_179 = arith.addi %add3A_178, %mul3A_177 : i32
        %swap3A_180 = arith.index_cast %add3A_179 : i32 to index
        %swap3A_181 = tpu.vector_load %arg7[%swap3A_180] {strides = array<i32>} : memref<65536xf32, #tpu.memory_space<vmem>>, vector<16xf32>,
        tpu.vector_store %arg7[%swap3A_180], %broadcast_in_dim3A_4 {strides = array<i32>} : memref<65536xf32, #tpu.memory_space<vmem>>, vector<16xf32>,
        %mul3A_182 = arith.constant 16 : i32
        %mul3A_183 = arith.muli %scan3A_92, %mul3A_182 : i32
        %add3A_184 = arith.constant 61440 : i32
        %add3A_185 = arith.addi %add3A_184, %mul3A_183 : i32
        %swap3A_186 = arith.index_cast %add3A_185 : i32 to index
        %swap3A_187 = tpu.vector_load %arg7[%swap3A_186] {strides = array<i32>} : memref<65536xf32, #tpu.memory_space<vmem>>, vector<16xf32>,
        tpu.vector_store %arg7[%swap3A_186], %broadcast_in_dim3A_4 {strides = array<i32>} : memref<65536xf32, #tpu.memory_space<vmem>>, vector<16xf32>,
      }
      %scan3A_30 = arith.constant 256 : i32
      %jit3A_31 = arith.constant 2048 : i32
      %div3A = arith.divsi %reduce_sum3A_17, %jit3A_31 : i32
      %sign3A = arith.constant 0 : i32
      %sign3A_32 = arith.cmpi sgt, %reduce_sum3A_17, %sign3A : i32
      %sign3A_33 = arith.extui %sign3A_32 : i1 to i32
      %sign3A_34 = arith.constant 0 : i32
      %sign3A_35 = arith.cmpi slt, %reduce_sum3A_17, %sign3A_34 : i32
      %sign3A_36 = arith.extui %sign3A_35 : i1 to i32
      %sign3A_37 = arith.subi %sign3A_33, %sign3A_36 : i32
      %sign3A_38 = arith.constant 0 : i32
      %sign3A_39 = arith.cmpi sgt, %jit3A_31, %sign3A_38 : i32
      %sign3A_40 = arith.extui %sign3A_39 : i1 to i32
      %sign3A_41 = arith.constant 0 : i32
      %sign3A_42 = arith.cmpi slt, %jit3A_31, %sign3A_41 : i32
      %sign3A_43 = arith.extui %sign3A_42 : i1 to i32
      %sign3A_44 = arith.subi %sign3A_40, %sign3A_43 : i32
      %ne3A = arith.cmpi ne, %sign3A_37, %sign3A_44 : i32
      %rem3A = arith.remsi %reduce_sum3A_17, %jit3A_31 : i32
      %ne3A_45 = arith.constant 0 : i32
      %ne3A_46 = arith.cmpi ne, %rem3A, %ne3A_45 : i32
      %and3A = arith.andi %ne3A, %ne3A_46 : i1
      %sub3A = arith.constant 1 : i32
      %sub3A_47 = arith.subi %div3A, %sub3A : i32
      %select_n3A_48 = arith.select %and3A, %sub3A_47, %div3A : i32
      %add3A_49 = arith.constant 2048 : i32
      %add3A_50 = arith.addi %reduce_sum3A_24, %add3A_49 : i32
      %sub3A_51 = arith.constant 1 : i32
      %sub3A_52 = arith.subi %add3A_50, %sub3A_51 : i32
      %jit3A_53 = arith.constant 2048 : i32
      %div3A_54 = arith.divsi %sub3A_52, %jit3A_53 : i32
      %sign3A_55 = arith.constant 0 : i32
      %sign3A_56 = arith.cmpi sgt, %sub3A_52, %sign3A_55 : i32
      %sign3A_57 = arith.extui %sign3A_56 : i1 to i32
      %sign3A_58 = arith.constant 0 : i32
      %sign3A_59 = arith.cmpi slt, %sub3A_52, %sign3A_58 : i32
      %sign3A_60 = arith.extui %sign3A_59 : i1 to i32
      %sign3A_61 = arith.subi %sign3A_57, %sign3A_60 : i32
      %sign3A_62 = arith.constant 0 : i32
      %sign3A_63 = arith.cmpi sgt, %jit3A_53, %sign3A_62 : i32
      %sign3A_64 = arith.extui %sign3A_63 : i1 to i32
      %sign3A_65 = arith.constant 0 : i32
      %sign3A_66 = arith.cmpi slt, %jit3A_53, %sign3A_65 : i32
      %sign3A_67 = arith.extui %sign3A_66 : i1 to i32
      %sign3A_68 = arith.subi %sign3A_64, %sign3A_67 : i32
      %ne3A_69 = arith.cmpi ne, %sign3A_61, %sign3A_68 : i32
      %rem3A_70 = arith.remsi %sub3A_52, %jit3A_53 : i32
      %ne3A_71 = arith.constant 0 : i32
      %ne3A_72 = arith.cmpi ne, %rem3A_70, %ne3A_71 : i32
      %and3A_73 = arith.andi %ne3A_69, %ne3A_72 : i1
      %sub3A_74 = arith.constant 1 : i32
      %sub3A_75 = arith.subi %div3A_54, %sub3A_74 : i32
      %select_n3A_76 = arith.select %and3A_73, %sub3A_75, %div3A_54 : i32
      %sub3A_77 = arith.subi %select_n3A_76, %select_n3A_48 : i32
      %while3A = arith.constant 0 : i32
      %while3A_78 = arith.constant 0 : i32
      %while3A_79 = arith.subi %sub3A_77, %while3A_78 : i32
      %while3A_80 = arith.addi %while3A_78, %while3A_79 : i32
      %while3A_81 = arith.constant 1 : i32
      %while3A_82 = arith.divsi %while3A_79, %while3A_81 : i32
      %while3A_83 = arith.muli %while3A_82, %while3A_81 : i32
      %while3A_84 = arith.addi %while3A_78, %while3A_83 : i32
      %while3A_85 = arith.constant 1 : i32
      scf.for %while3A_92 = %while3A_78 to %while3A_84 step %while3A_85  : i32 {
        %add3A_93 = arith.addi %select_n3A_48, %while3A_92 : i32
        %mul3A_94 = arith.constant 2048 : i32
        %mul3A_95 = arith.muli %add3A_93, %mul3A_94 : i32
        "tpu.region"() ({
          %run_scoped3A = tpu.sem_alloc : memref<!tpu.dma_semaphore, #tpu.memory_space<semaphore_mem>>
          %dma_start3A = tpu.memref_slice %arg2[%mul3A_95, %mul3A_0] : memref<32768x256xf32, #tpu.memory_space<hbm>> -> memref<2048x16xf32, #tpu.memory_space<hbm>>
          %dma_start3A_102 = tpu.memref_slice %arg2[%mul3A_95, %mul3A_0] : memref<32768x256xf32, #tpu.memory_space<hbm>> -> memref<2048x16xf32, #tpu.memory_space<hbm>>
          tpu.enqueue_dma source(%dma_start3A_102 : memref<2048x16xf32, #tpu.memory_space<hbm>>) target(%arg8 : memref<2048x16xf32, #tpu.memory_space<vmem>>) target_semaphore(%run_scoped3A : memref<!tpu.dma_semaphore, #tpu.memory_space<semaphore_mem>>)
          %dma_wait3A = tpu.memref_slice %arg2[%mul3A_95, %mul3A_0] : memref<32768x256xf32, #tpu.memory_space<hbm>> -> memref<2048x16xf32, #tpu.memory_space<hbm>>
          %dma_wait3A_103 = tpu.memref_slice %arg2[%mul3A_95, %mul3A_0] : memref<32768x256xf32, #tpu.memory_space<hbm>> -> memref<2048x16xf32, #tpu.memory_space<hbm>>
          tpu.wait_dma2 semaphore(%run_scoped3A : memref<!tpu.dma_semaphore, #tpu.memory_space<semaphore_mem>>) src(%dma_wait3A_103 : memref<2048x16xf32, #tpu.memory_space<hbm>>) dst(%arg8 : memref<2048x16xf32, #tpu.memory_space<vmem>>)
          tpu.yield
        }) : () -> ()
        "tpu.region"() ({
          %run_scoped3A = tpu.sem_alloc : memref<!tpu.dma_semaphore, #tpu.memory_space<semaphore_mem>>
          %dma_start3A = tpu.memref_slice %arg3[%mul3A_95] : memref<32768xi32, #tpu.memory_space<hbm>> -> memref<2048xi32, #tpu.memory_space<hbm>>
          %dma_start3A_102 = tpu.memref_slice %arg3[%mul3A_95] : memref<32768xi32, #tpu.memory_space<hbm>> -> memref<2048xi32, #tpu.memory_space<hbm>>
          tpu.enqueue_dma source(%dma_start3A_102 : memref<2048xi32, #tpu.memory_space<hbm>>) target(%arg9 : memref<2048xi32, #tpu.memory_space<vmem>>) target_semaphore(%run_scoped3A : memref<!tpu.dma_semaphore, #tpu.memory_space<semaphore_mem>>)
          %dma_wait3A = tpu.memref_slice %arg3[%mul3A_95] : memref<32768xi32, #tpu.memory_space<hbm>> -> memref<2048xi32, #tpu.memory_space<hbm>>
          %dma_wait3A_103 = tpu.memref_slice %arg3[%mul3A_95] : memref<32768xi32, #tpu.memory_space<hbm>> -> memref<2048xi32, #tpu.memory_space<hbm>>
          tpu.wait_dma2 semaphore(%run_scoped3A : memref<!tpu.dma_semaphore, #tpu.memory_space<semaphore_mem>>) src(%dma_wait3A_103 : memref<2048xi32, #tpu.memory_space<hbm>>) dst(%arg9 : memref<2048xi32, #tpu.memory_space<vmem>>)
          tpu.yield
        }) : () -> ()
        %scan3A_96 = arith.constant 0 : i32
        %scan3A_97 = arith.constant 0 : i32
        %scan3A_98 = arith.constant 128 : i32
        %scan3A_99 = arith.addi %scan3A_97, %scan3A_98 : i32
        %scan3A_100 = arith.constant 1 : i32
        scf.for %scan3A_102 = %scan3A_97 to %scan3A_99 step %scan3A_100  : i32 {
          %mul3A_103 = arith.constant 16 : i32
          %mul3A_104 = arith.muli %scan3A_102, %mul3A_103 : i32
          %get3A_105 = arith.index_cast %mul3A_104 : i32 to index
          %get3A_106 = tpu.vector_load %arg9[%get3A_105] {strides = array<i32>} : memref<2048xi32, #tpu.memory_space<vmem>>, vector<16xi32>,
          %mul3A_107 = arith.constant 16 : i32
          %mul3A_108 = arith.muli %scan3A_102, %mul3A_107 : i32
          %add3A_109 = arith.addi %mul3A_95, %mul3A_108 : i32
          %add3A_110 = vector.broadcast %add3A_109 : i32 to vector<16xi32>
          %add3A_111 = arith.addi %add3A_110, %iota3A : vector<16xi32>
          %ge3A = vector.broadcast %reduce_sum3A_17 : i32 to vector<16xi32>
          %ge3A_112 = arith.cmpi sge, %add3A_111, %ge3A : vector<16xi32>
          %lt3A = vector.broadcast %reduce_sum3A_24 : i32 to vector<16xi32>
          %lt3A_113 = arith.cmpi slt, %add3A_111, %lt3A : vector<16xi32>
          %and3A_114 = arith.andi %ge3A_112, %lt3A_113 : vector<16xi1>
          %mul3A_115 = arith.constant 16 : i32
          %mul3A_116 = arith.muli %scan3A_102, %mul3A_115 : i32
          %add3A_117 = vector.broadcast %mul3A_116 : i32 to vector<16xi32>
          %add3A_118 = arith.addi %add3A_117, %iota3A : vector<16xi32>
          %broadcast_in_dim3A_119 = arith.constant 0 : i32
          %broadcast_in_dim3A_120 = vector.broadcast %broadcast_in_dim3A_119 : i32 to vector<16xi32>
          %gather3A = tpu.vector_load_idx %arg8[%add3A_118, %broadcast_in_dim3A_120] : memref<2048x16xf32, #tpu.memory_space<vmem>>[vector<16xi32>, vector<16xi32>], vector<16xf32>,
          %broadcast_in_dim3A_121 = arith.constant 1 : i32
          %broadcast_in_dim3A_122 = vector.broadcast %broadcast_in_dim3A_121 : i32 to vector<16xi32>
          %gather3A_123 = tpu.vector_load_idx %arg8[%add3A_118, %broadcast_in_dim3A_122] : memref<2048x16xf32, #tpu.memory_space<vmem>>[vector<16xi32>, vector<16xi32>], vector<16xf32>,
          %broadcast_in_dim3A_124 = arith.constant 2 : i32
          %broadcast_in_dim3A_125 = vector.broadcast %broadcast_in_dim3A_124 : i32 to vector<16xi32>
          %gather3A_126 = tpu.vector_load_idx %arg8[%add3A_118, %broadcast_in_dim3A_125] : memref<2048x16xf32, #tpu.memory_space<vmem>>[vector<16xi32>, vector<16xi32>], vector<16xf32>,
          %broadcast_in_dim3A_127 = arith.constant 3 : i32
          %broadcast_in_dim3A_128 = vector.broadcast %broadcast_in_dim3A_127 : i32 to vector<16xi32>
          %gather3A_129 = tpu.vector_load_idx %arg8[%add3A_118, %broadcast_in_dim3A_128] : memref<2048x16xf32, #tpu.memory_space<vmem>>[vector<16xi32>, vector<16xi32>], vector<16xf32>,
          %broadcast_in_dim3A_130 = arith.constant 4 : i32
          %broadcast_in_dim3A_131 = vector.broadcast %broadcast_in_dim3A_130 : i32 to vector<16xi32>
          %gather3A_132 = tpu.vector_load_idx %arg8[%add3A_118, %broadcast_in_dim3A_131] : memref<2048x16xf32, #tpu.memory_space<vmem>>[vector<16xi32>, vector<16xi32>], vector<16xf32>,
          %broadcast_in_dim3A_133 = arith.constant 5 : i32
          %broadcast_in_dim3A_134 = vector.broadcast %broadcast_in_dim3A_133 : i32 to vector<16xi32>
          %gather3A_135 = tpu.vector_load_idx %arg8[%add3A_118, %broadcast_in_dim3A_134] : memref<2048x16xf32, #tpu.memory_space<vmem>>[vector<16xi32>, vector<16xi32>], vector<16xf32>,
          %broadcast_in_dim3A_136 = arith.constant 6 : i32
          %broadcast_in_dim3A_137 = vector.broadcast %broadcast_in_dim3A_136 : i32 to vector<16xi32>
          %gather3A_138 = tpu.vector_load_idx %arg8[%add3A_118, %broadcast_in_dim3A_137] : memref<2048x16xf32, #tpu.memory_space<vmem>>[vector<16xi32>, vector<16xi32>], vector<16xf32>,
          %broadcast_in_dim3A_139 = arith.constant 7 : i32
          %broadcast_in_dim3A_140 = vector.broadcast %broadcast_in_dim3A_139 : i32 to vector<16xi32>
          %gather3A_141 = tpu.vector_load_idx %arg8[%add3A_118, %broadcast_in_dim3A_140] : memref<2048x16xf32, #tpu.memory_space<vmem>>[vector<16xi32>, vector<16xi32>], vector<16xf32>,
          %broadcast_in_dim3A_142 = arith.constant 8 : i32
          %broadcast_in_dim3A_143 = vector.broadcast %broadcast_in_dim3A_142 : i32 to vector<16xi32>
          %gather3A_144 = tpu.vector_load_idx %arg8[%add3A_118, %broadcast_in_dim3A_143] : memref<2048x16xf32, #tpu.memory_space<vmem>>[vector<16xi32>, vector<16xi32>], vector<16xf32>,
          %broadcast_in_dim3A_145 = arith.constant 9 : i32
          %broadcast_in_dim3A_146 = vector.broadcast %broadcast_in_dim3A_145 : i32 to vector<16xi32>
          %gather3A_147 = tpu.vector_load_idx %arg8[%add3A_118, %broadcast_in_dim3A_146] : memref<2048x16xf32, #tpu.memory_space<vmem>>[vector<16xi32>, vector<16xi32>], vector<16xf32>,
          %broadcast_in_dim3A_148 = arith.constant 10 : i32
          %broadcast_in_dim3A_149 = vector.broadcast %broadcast_in_dim3A_148 : i32 to vector<16xi32>
          %gather3A_150 = tpu.vector_load_idx %arg8[%add3A_118, %broadcast_in_dim3A_149] : memref<2048x16xf32, #tpu.memory_space<vmem>>[vector<16xi32>, vector<16xi32>], vector<16xf32>,
          %broadcast_in_dim3A_151 = arith.constant 11 : i32
          %broadcast_in_dim3A_152 = vector.broadcast %broadcast_in_dim3A_151 : i32 to vector<16xi32>
          %gather3A_153 = tpu.vector_load_idx %arg8[%add3A_118, %broadcast_in_dim3A_152] : memref<2048x16xf32, #tpu.memory_space<vmem>>[vector<16xi32>, vector<16xi32>], vector<16xf32>,
          %broadcast_in_dim3A_154 = arith.constant 12 : i32
          %broadcast_in_dim3A_155 = vector.broadcast %broadcast_in_dim3A_154 : i32 to vector<16xi32>
          %gather3A_156 = tpu.vector_load_idx %arg8[%add3A_118, %broadcast_in_dim3A_155] : memref<2048x16xf32, #tpu.memory_space<vmem>>[vector<16xi32>, vector<16xi32>], vector<16xf32>,
          %broadcast_in_dim3A_157 = arith.constant 13 : i32
          %broadcast_in_dim3A_158 = vector.broadcast %broadcast_in_dim3A_157 : i32 to vector<16xi32>
          %gather3A_159 = tpu.vector_load_idx %arg8[%add3A_118, %broadcast_in_dim3A_158] : memref<2048x16xf32, #tpu.memory_space<vmem>>[vector<16xi32>, vector<16xi32>], vector<16xf32>,
          %broadcast_in_dim3A_160 = arith.constant 14 : i32
          %broadcast_in_dim3A_161 = vector.broadcast %broadcast_in_dim3A_160 : i32 to vector<16xi32>
          %gather3A_162 = tpu.vector_load_idx %arg8[%add3A_118, %broadcast_in_dim3A_161] : memref<2048x16xf32, #tpu.memory_space<vmem>>[vector<16xi32>, vector<16xi32>], vector<16xf32>,
          %broadcast_in_dim3A_163 = arith.constant 15 : i32
          %broadcast_in_dim3A_164 = vector.broadcast %broadcast_in_dim3A_163 : i32 to vector<16xi32>
          %gather3A_165 = tpu.vector_load_idx %arg8[%add3A_118, %broadcast_in_dim3A_164] : memref<2048x16xf32, #tpu.memory_space<vmem>>[vector<16xi32>, vector<16xi32>], vector<16xf32>,
          %add3A_166 = arith.constant 0 : i32
          %add3A_167 = vector.broadcast %add3A_166 : i32 to vector<16xi32>
          %add3A_168 = arith.addi %get3A_106, %add3A_167 : vector<16xi32>
          tpu.vector_store_idx %arg7[%add3A_168], %gather3A masked %and3A_114 {add = true} : memref<65536xf32, #tpu.memory_space<vmem>>[vector<16xi32>], vector<16xf32>, vector<16xi1>
          %add3A_169 = arith.constant 4096 : i32
          %add3A_170 = vector.broadcast %add3A_169 : i32 to vector<16xi32>
          %add3A_171 = arith.addi %get3A_106, %add3A_170 : vector<16xi32>
          tpu.vector_store_idx %arg7[%add3A_171], %gather3A_123 masked %and3A_114 {add = true} : memref<65536xf32, #tpu.memory_space<vmem>>[vector<16xi32>], vector<16xf32>, vector<16xi1>
          %add3A_172 = arith.constant 8192 : i32
          %add3A_173 = vector.broadcast %add3A_172 : i32 to vector<16xi32>
          %add3A_174 = arith.addi %get3A_106, %add3A_173 : vector<16xi32>
          tpu.vector_store_idx %arg7[%add3A_174], %gather3A_126 masked %and3A_114 {add = true} : memref<65536xf32, #tpu.memory_space<vmem>>[vector<16xi32>], vector<16xf32>, vector<16xi1>
          %add3A_175 = arith.constant 12288 : i32
          %add3A_176 = vector.broadcast %add3A_175 : i32 to vector<16xi32>
          %add3A_177 = arith.addi %get3A_106, %add3A_176 : vector<16xi32>
          tpu.vector_store_idx %arg7[%add3A_177], %gather3A_129 masked %and3A_114 {add = true} : memref<65536xf32, #tpu.memory_space<vmem>>[vector<16xi32>], vector<16xf32>, vector<16xi1>
          %add3A_178 = arith.constant 16384 : i32
          %add3A_179 = vector.broadcast %add3A_178 : i32 to vector<16xi32>
          %add3A_180 = arith.addi %get3A_106, %add3A_179 : vector<16xi32>
          tpu.vector_store_idx %arg7[%add3A_180], %gather3A_132 masked %and3A_114 {add = true} : memref<65536xf32, #tpu.memory_space<vmem>>[vector<16xi32>], vector<16xf32>, vector<16xi1>
          %add3A_181 = arith.constant 20480 : i32
          %add3A_182 = vector.broadcast %add3A_181 : i32 to vector<16xi32>
          %add3A_183 = arith.addi %get3A_106, %add3A_182 : vector<16xi32>
          tpu.vector_store_idx %arg7[%add3A_183], %gather3A_135 masked %and3A_114 {add = true} : memref<65536xf32, #tpu.memory_space<vmem>>[vector<16xi32>], vector<16xf32>, vector<16xi1>
          %add3A_184 = arith.constant 24576 : i32
          %add3A_185 = vector.broadcast %add3A_184 : i32 to vector<16xi32>
          %add3A_186 = arith.addi %get3A_106, %add3A_185 : vector<16xi32>
          tpu.vector_store_idx %arg7[%add3A_186], %gather3A_138 masked %and3A_114 {add = true} : memref<65536xf32, #tpu.memory_space<vmem>>[vector<16xi32>], vector<16xf32>, vector<16xi1>
          %add3A_187 = arith.constant 28672 : i32
          %add3A_188 = vector.broadcast %add3A_187 : i32 to vector<16xi32>
          %add3A_189 = arith.addi %get3A_106, %add3A_188 : vector<16xi32>
          tpu.vector_store_idx %arg7[%add3A_189], %gather3A_141 masked %and3A_114 {add = true} : memref<65536xf32, #tpu.memory_space<vmem>>[vector<16xi32>], vector<16xf32>, vector<16xi1>
          %add3A_190 = arith.constant 32768 : i32
          %add3A_191 = vector.broadcast %add3A_190 : i32 to vector<16xi32>
          %add3A_192 = arith.addi %get3A_106, %add3A_191 : vector<16xi32>
          tpu.vector_store_idx %arg7[%add3A_192], %gather3A_144 masked %and3A_114 {add = true} : memref<65536xf32, #tpu.memory_space<vmem>>[vector<16xi32>], vector<16xf32>, vector<16xi1>
          %add3A_193 = arith.constant 36864 : i32
          %add3A_194 = vector.broadcast %add3A_193 : i32 to vector<16xi32>
          %add3A_195 = arith.addi %get3A_106, %add3A_194 : vector<16xi32>
          tpu.vector_store_idx %arg7[%add3A_195], %gather3A_147 masked %and3A_114 {add = true} : memref<65536xf32, #tpu.memory_space<vmem>>[vector<16xi32>], vector<16xf32>, vector<16xi1>
          %add3A_196 = arith.constant 40960 : i32
          %add3A_197 = vector.broadcast %add3A_196 : i32 to vector<16xi32>
          %add3A_198 = arith.addi %get3A_106, %add3A_197 : vector<16xi32>
          tpu.vector_store_idx %arg7[%add3A_198], %gather3A_150 masked %and3A_114 {add = true} : memref<65536xf32, #tpu.memory_space<vmem>>[vector<16xi32>], vector<16xf32>, vector<16xi1>
          %add3A_199 = arith.constant 45056 : i32
          %add3A_200 = vector.broadcast %add3A_199 : i32 to vector<16xi32>
          %add3A_201 = arith.addi %get3A_106, %add3A_200 : vector<16xi32>
          tpu.vector_store_idx %arg7[%add3A_201], %gather3A_153 masked %and3A_114 {add = true} : memref<65536xf32, #tpu.memory_space<vmem>>[vector<16xi32>], vector<16xf32>, vector<16xi1>
          %add3A_202 = arith.constant 49152 : i32
          %add3A_203 = vector.broadcast %add3A_202 : i32 to vector<16xi32>
          %add3A_204 = arith.addi %get3A_106, %add3A_203 : vector<16xi32>
          tpu.vector_store_idx %arg7[%add3A_204], %gather3A_156 masked %and3A_114 {add = true} : memref<65536xf32, #tpu.memory_space<vmem>>[vector<16xi32>], vector<16xf32>, vector<16xi1>
          %add3A_205 = arith.constant 53248 : i32
          %add3A_206 = vector.broadcast %add3A_205 : i32 to vector<16xi32>
          %add3A_207 = arith.addi %get3A_106, %add3A_206 : vector<16xi32>
          tpu.vector_store_idx %arg7[%add3A_207], %gather3A_159 masked %and3A_114 {add = true} : memref<65536xf32, #tpu.memory_space<vmem>>[vector<16xi32>], vector<16xf32>, vector<16xi1>
          %add3A_208 = arith.constant 57344 : i32
          %add3A_209 = vector.broadcast %add3A_208 : i32 to vector<16xi32>
          %add3A_210 = arith.addi %get3A_106, %add3A_209 : vector<16xi32>
          tpu.vector_store_idx %arg7[%add3A_210], %gather3A_162 masked %and3A_114 {add = true} : memref<65536xf32, #tpu.memory_space<vmem>>[vector<16xi32>], vector<16xf32>, vector<16xi1>
          %add3A_211 = arith.constant 61440 : i32
          %add3A_212 = vector.broadcast %add3A_211 : i32 to vector<16xi32>
          %add3A_213 = arith.addi %get3A_106, %add3A_212 : vector<16xi32>
          tpu.vector_store_idx %arg7[%add3A_213], %gather3A_165 masked %and3A_114 {add = true} : memref<65536xf32, #tpu.memory_space<vmem>>[vector<16xi32>], vector<16xf32>, vector<16xi1>
        }
        %scan3A_101 = arith.constant 128 : i32
      }
      %while3A_86 = arith.constant 1 : i32
      scf.for %while3A_92 = %while3A_84 to %while3A_80 step %while3A_86  : i32 {
        %add3A_93 = arith.addi %select_n3A_48, %while3A_92 : i32
        %mul3A_94 = arith.constant 2048 : i32
        %mul3A_95 = arith.muli %add3A_93, %mul3A_94 : i32
        "tpu.region"() ({
          %run_scoped3A = tpu.sem_alloc : memref<!tpu.dma_semaphore, #tpu.memory_space<semaphore_mem>>
          %dma_start3A = tpu.memref_slice %arg2[%mul3A_95, %mul3A_0] : memref<32768x256xf32, #tpu.memory_space<hbm>> -> memref<2048x16xf32, #tpu.memory_space<hbm>>
          %dma_start3A_102 = tpu.memref_slice %arg2[%mul3A_95, %mul3A_0] : memref<32768x256xf32, #tpu.memory_space<hbm>> -> memref<2048x16xf32, #tpu.memory_space<hbm>>
          tpu.enqueue_dma source(%dma_start3A_102 : memref<2048x16xf32, #tpu.memory_space<hbm>>) target(%arg8 : memref<2048x16xf32, #tpu.memory_space<vmem>>) target_semaphore(%run_scoped3A : memref<!tpu.dma_semaphore, #tpu.memory_space<semaphore_mem>>)
          %dma_wait3A = tpu.memref_slice %arg2[%mul3A_95, %mul3A_0] : memref<32768x256xf32, #tpu.memory_space<hbm>> -> memref<2048x16xf32, #tpu.memory_space<hbm>>
          %dma_wait3A_103 = tpu.memref_slice %arg2[%mul3A_95, %mul3A_0] : memref<32768x256xf32, #tpu.memory_space<hbm>> -> memref<2048x16xf32, #tpu.memory_space<hbm>>
          tpu.wait_dma2 semaphore(%run_scoped3A : memref<!tpu.dma_semaphore, #tpu.memory_space<semaphore_mem>>) src(%dma_wait3A_103 : memref<2048x16xf32, #tpu.memory_space<hbm>>) dst(%arg8 : memref<2048x16xf32, #tpu.memory_space<vmem>>)
          tpu.yield
        }) : () -> ()
        "tpu.region"() ({
          %run_scoped3A = tpu.sem_alloc : memref<!tpu.dma_semaphore, #tpu.memory_space<semaphore_mem>>
          %dma_start3A = tpu.memref_slice %arg3[%mul3A_95] : memref<32768xi32, #tpu.memory_space<hbm>> -> memref<2048xi32, #tpu.memory_space<hbm>>
          %dma_start3A_102 = tpu.memref_slice %arg3[%mul3A_95] : memref<32768xi32, #tpu.memory_space<hbm>> -> memref<2048xi32, #tpu.memory_space<hbm>>
          tpu.enqueue_dma source(%dma_start3A_102 : memref<2048xi32, #tpu.memory_space<hbm>>) target(%arg9 : memref<2048xi32, #tpu.memory_space<vmem>>) target_semaphore(%run_scoped3A : memref<!tpu.dma_semaphore, #tpu.memory_space<semaphore_mem>>)
          %dma_wait3A = tpu.memref_slice %arg3[%mul3A_95] : memref<32768xi32, #tpu.memory_space<hbm>> -> memref<2048xi32, #tpu.memory_space<hbm>>
          %dma_wait3A_103 = tpu.memref_slice %arg3[%mul3A_95] : memref<32768xi32, #tpu.memory_space<hbm>> -> memref<2048xi32, #tpu.memory_space<hbm>>
          tpu.wait_dma2 semaphore(%run_scoped3A : memref<!tpu.dma_semaphore, #tpu.memory_space<semaphore_mem>>) src(%dma_wait3A_103 : memref<2048xi32, #tpu.memory_space<hbm>>) dst(%arg9 : memref<2048xi32, #tpu.memory_space<vmem>>)
          tpu.yield
        }) : () -> ()
        %scan3A_96 = arith.constant 0 : i32
        %scan3A_97 = arith.constant 0 : i32
        %scan3A_98 = arith.constant 128 : i32
        %scan3A_99 = arith.addi %scan3A_97, %scan3A_98 : i32
        %scan3A_100 = arith.constant 1 : i32
        scf.for %scan3A_102 = %scan3A_97 to %scan3A_99 step %scan3A_100  : i32 {
          %mul3A_103 = arith.constant 16 : i32
          %mul3A_104 = arith.muli %scan3A_102, %mul3A_103 : i32
          %get3A_105 = arith.index_cast %mul3A_104 : i32 to index
          %get3A_106 = tpu.vector_load %arg9[%get3A_105] {strides = array<i32>} : memref<2048xi32, #tpu.memory_space<vmem>>, vector<16xi32>,
          %mul3A_107 = arith.constant 16 : i32
          %mul3A_108 = arith.muli %scan3A_102, %mul3A_107 : i32
          %add3A_109 = arith.addi %mul3A_95, %mul3A_108 : i32
          %add3A_110 = vector.broadcast %add3A_109 : i32 to vector<16xi32>
          %add3A_111 = arith.addi %add3A_110, %iota3A : vector<16xi32>
          %ge3A = vector.broadcast %reduce_sum3A_17 : i32 to vector<16xi32>
          %ge3A_112 = arith.cmpi sge, %add3A_111, %ge3A : vector<16xi32>
          %lt3A = vector.broadcast %reduce_sum3A_24 : i32 to vector<16xi32>
          %lt3A_113 = arith.cmpi slt, %add3A_111, %lt3A : vector<16xi32>
          %and3A_114 = arith.andi %ge3A_112, %lt3A_113 : vector<16xi1>
          %mul3A_115 = arith.constant 16 : i32
          %mul3A_116 = arith.muli %scan3A_102, %mul3A_115 : i32
          %add3A_117 = vector.broadcast %mul3A_116 : i32 to vector<16xi32>
          %add3A_118 = arith.addi %add3A_117, %iota3A : vector<16xi32>
          %broadcast_in_dim3A_119 = arith.constant 0 : i32
          %broadcast_in_dim3A_120 = vector.broadcast %broadcast_in_dim3A_119 : i32 to vector<16xi32>
          %gather3A = tpu.vector_load_idx %arg8[%add3A_118, %broadcast_in_dim3A_120] : memref<2048x16xf32, #tpu.memory_space<vmem>>[vector<16xi32>, vector<16xi32>], vector<16xf32>,
          %broadcast_in_dim3A_121 = arith.constant 1 : i32
          %broadcast_in_dim3A_122 = vector.broadcast %broadcast_in_dim3A_121 : i32 to vector<16xi32>
          %gather3A_123 = tpu.vector_load_idx %arg8[%add3A_118, %broadcast_in_dim3A_122] : memref<2048x16xf32, #tpu.memory_space<vmem>>[vector<16xi32>, vector<16xi32>], vector<16xf32>,
          %broadcast_in_dim3A_124 = arith.constant 2 : i32
          %broadcast_in_dim3A_125 = vector.broadcast %broadcast_in_dim3A_124 : i32 to vector<16xi32>
          %gather3A_126 = tpu.vector_load_idx %arg8[%add3A_118, %broadcast_in_dim3A_125] : memref<2048x16xf32, #tpu.memory_space<vmem>>[vector<16xi32>, vector<16xi32>], vector<16xf32>,
          %broadcast_in_dim3A_127 = arith.constant 3 : i32
          %broadcast_in_dim3A_128 = vector.broadcast %broadcast_in_dim3A_127 : i32 to vector<16xi32>
          %gather3A_129 = tpu.vector_load_idx %arg8[%add3A_118, %broadcast_in_dim3A_128] : memref<2048x16xf32, #tpu.memory_space<vmem>>[vector<16xi32>, vector<16xi32>], vector<16xf32>,
          %broadcast_in_dim3A_130 = arith.constant 4 : i32
          %broadcast_in_dim3A_131 = vector.broadcast %broadcast_in_dim3A_130 : i32 to vector<16xi32>
          %gather3A_132 = tpu.vector_load_idx %arg8[%add3A_118, %broadcast_in_dim3A_131] : memref<2048x16xf32, #tpu.memory_space<vmem>>[vector<16xi32>, vector<16xi32>], vector<16xf32>,
          %broadcast_in_dim3A_133 = arith.constant 5 : i32
          %broadcast_in_dim3A_134 = vector.broadcast %broadcast_in_dim3A_133 : i32 to vector<16xi32>
          %gather3A_135 = tpu.vector_load_idx %arg8[%add3A_118, %broadcast_in_dim3A_134] : memref<2048x16xf32, #tpu.memory_space<vmem>>[vector<16xi32>, vector<16xi32>], vector<16xf32>,
          %broadcast_in_dim3A_136 = arith.constant 6 : i32
          %broadcast_in_dim3A_137 = vector.broadcast %broadcast_in_dim3A_136 : i32 to vector<16xi32>
          %gather3A_138 = tpu.vector_load_idx %arg8[%add3A_118, %broadcast_in_dim3A_137] : memref<2048x16xf32, #tpu.memory_space<vmem>>[vector<16xi32>, vector<16xi32>], vector<16xf32>,
          %broadcast_in_dim3A_139 = arith.constant 7 : i32
          %broadcast_in_dim3A_140 = vector.broadcast %broadcast_in_dim3A_139 : i32 to vector<16xi32>
          %gather3A_141 = tpu.vector_load_idx %arg8[%add3A_118, %broadcast_in_dim3A_140] : memref<2048x16xf32, #tpu.memory_space<vmem>>[vector<16xi32>, vector<16xi32>], vector<16xf32>,
          %broadcast_in_dim3A_142 = arith.constant 8 : i32
          %broadcast_in_dim3A_143 = vector.broadcast %broadcast_in_dim3A_142 : i32 to vector<16xi32>
          %gather3A_144 = tpu.vector_load_idx %arg8[%add3A_118, %broadcast_in_dim3A_143] : memref<2048x16xf32, #tpu.memory_space<vmem>>[vector<16xi32>, vector<16xi32>], vector<16xf32>,
          %broadcast_in_dim3A_145 = arith.constant 9 : i32
          %broadcast_in_dim3A_146 = vector.broadcast %broadcast_in_dim3A_145 : i32 to vector<16xi32>
          %gather3A_147 = tpu.vector_load_idx %arg8[%add3A_118, %broadcast_in_dim3A_146] : memref<2048x16xf32, #tpu.memory_space<vmem>>[vector<16xi32>, vector<16xi32>], vector<16xf32>,
          %broadcast_in_dim3A_148 = arith.constant 10 : i32
          %broadcast_in_dim3A_149 = vector.broadcast %broadcast_in_dim3A_148 : i32 to vector<16xi32>
          %gather3A_150 = tpu.vector_load_idx %arg8[%add3A_118, %broadcast_in_dim3A_149] : memref<2048x16xf32, #tpu.memory_space<vmem>>[vector<16xi32>, vector<16xi32>], vector<16xf32>,
          %broadcast_in_dim3A_151 = arith.constant 11 : i32
          %broadcast_in_dim3A_152 = vector.broadcast %broadcast_in_dim3A_151 : i32 to vector<16xi32>
          %gather3A_153 = tpu.vector_load_idx %arg8[%add3A_118, %broadcast_in_dim3A_152] : memref<2048x16xf32, #tpu.memory_space<vmem>>[vector<16xi32>, vector<16xi32>], vector<16xf32>,
          %broadcast_in_dim3A_154 = arith.constant 12 : i32
          %broadcast_in_dim3A_155 = vector.broadcast %broadcast_in_dim3A_154 : i32 to vector<16xi32>
          %gather3A_156 = tpu.vector_load_idx %arg8[%add3A_118, %broadcast_in_dim3A_155] : memref<2048x16xf32, #tpu.memory_space<vmem>>[vector<16xi32>, vector<16xi32>], vector<16xf32>,
          %broadcast_in_dim3A_157 = arith.constant 13 : i32
          %broadcast_in_dim3A_158 = vector.broadcast %broadcast_in_dim3A_157 : i32 to vector<16xi32>
          %gather3A_159 = tpu.vector_load_idx %arg8[%add3A_118, %broadcast_in_dim3A_158] : memref<2048x16xf32, #tpu.memory_space<vmem>>[vector<16xi32>, vector<16xi32>], vector<16xf32>,
          %broadcast_in_dim3A_160 = arith.constant 14 : i32
          %broadcast_in_dim3A_161 = vector.broadcast %broadcast_in_dim3A_160 : i32 to vector<16xi32>
          %gather3A_162 = tpu.vector_load_idx %arg8[%add3A_118, %broadcast_in_dim3A_161] : memref<2048x16xf32, #tpu.memory_space<vmem>>[vector<16xi32>, vector<16xi32>], vector<16xf32>,
          %broadcast_in_dim3A_163 = arith.constant 15 : i32
          %broadcast_in_dim3A_164 = vector.broadcast %broadcast_in_dim3A_163 : i32 to vector<16xi32>
          %gather3A_165 = tpu.vector_load_idx %arg8[%add3A_118, %broadcast_in_dim3A_164] : memref<2048x16xf32, #tpu.memory_space<vmem>>[vector<16xi32>, vector<16xi32>], vector<16xf32>,
          %add3A_166 = arith.constant 0 : i32
          %add3A_167 = vector.broadcast %add3A_166 : i32 to vector<16xi32>
          %add3A_168 = arith.addi %get3A_106, %add3A_167 : vector<16xi32>
          tpu.vector_store_idx %arg7[%add3A_168], %gather3A masked %and3A_114 {add = true} : memref<65536xf32, #tpu.memory_space<vmem>>[vector<16xi32>], vector<16xf32>, vector<16xi1>
          %add3A_169 = arith.constant 4096 : i32
          %add3A_170 = vector.broadcast %add3A_169 : i32 to vector<16xi32>
          %add3A_171 = arith.addi %get3A_106, %add3A_170 : vector<16xi32>
          tpu.vector_store_idx %arg7[%add3A_171], %gather3A_123 masked %and3A_114 {add = true} : memref<65536xf32, #tpu.memory_space<vmem>>[vector<16xi32>], vector<16xf32>, vector<16xi1>
          %add3A_172 = arith.constant 8192 : i32
          %add3A_173 = vector.broadcast %add3A_172 : i32 to vector<16xi32>
          %add3A_174 = arith.addi %get3A_106, %add3A_173 : vector<16xi32>
          tpu.vector_store_idx %arg7[%add3A_174], %gather3A_126 masked %and3A_114 {add = true} : memref<65536xf32, #tpu.memory_space<vmem>>[vector<16xi32>], vector<16xf32>, vector<16xi1>
          %add3A_175 = arith.constant 12288 : i32
          %add3A_176 = vector.broadcast %add3A_175 : i32 to vector<16xi32>
          %add3A_177 = arith.addi %get3A_106, %add3A_176 : vector<16xi32>
          tpu.vector_store_idx %arg7[%add3A_177], %gather3A_129 masked %and3A_114 {add = true} : memref<65536xf32, #tpu.memory_space<vmem>>[vector<16xi32>], vector<16xf32>, vector<16xi1>
          %add3A_178 = arith.constant 16384 : i32
          %add3A_179 = vector.broadcast %add3A_178 : i32 to vector<16xi32>
          %add3A_180 = arith.addi %get3A_106, %add3A_179 : vector<16xi32>
          tpu.vector_store_idx %arg7[%add3A_180], %gather3A_132 masked %and3A_114 {add = true} : memref<65536xf32, #tpu.memory_space<vmem>>[vector<16xi32>], vector<16xf32>, vector<16xi1>
          %add3A_181 = arith.constant 20480 : i32
          %add3A_182 = vector.broadcast %add3A_181 : i32 to vector<16xi32>
          %add3A_183 = arith.addi %get3A_106, %add3A_182 : vector<16xi32>
          tpu.vector_store_idx %arg7[%add3A_183], %gather3A_135 masked %and3A_114 {add = true} : memref<65536xf32, #tpu.memory_space<vmem>>[vector<16xi32>], vector<16xf32>, vector<16xi1>
          %add3A_184 = arith.constant 24576 : i32
          %add3A_185 = vector.broadcast %add3A_184 : i32 to vector<16xi32>
          %add3A_186 = arith.addi %get3A_106, %add3A_185 : vector<16xi32>
          tpu.vector_store_idx %arg7[%add3A_186], %gather3A_138 masked %and3A_114 {add = true} : memref<65536xf32, #tpu.memory_space<vmem>>[vector<16xi32>], vector<16xf32>, vector<16xi1>
          %add3A_187 = arith.constant 28672 : i32
          %add3A_188 = vector.broadcast %add3A_187 : i32 to vector<16xi32>
          %add3A_189 = arith.addi %get3A_106, %add3A_188 : vector<16xi32>
          tpu.vector_store_idx %arg7[%add3A_189], %gather3A_141 masked %and3A_114 {add = true} : memref<65536xf32, #tpu.memory_space<vmem>>[vector<16xi32>], vector<16xf32>, vector<16xi1>
          %add3A_190 = arith.constant 32768 : i32
          %add3A_191 = vector.broadcast %add3A_190 : i32 to vector<16xi32>
          %add3A_192 = arith.addi %get3A_106, %add3A_191 : vector<16xi32>
          tpu.vector_store_idx %arg7[%add3A_192], %gather3A_144 masked %and3A_114 {add = true} : memref<65536xf32, #tpu.memory_space<vmem>>[vector<16xi32>], vector<16xf32>, vector<16xi1>
          %add3A_193 = arith.constant 36864 : i32
          %add3A_194 = vector.broadcast %add3A_193 : i32 to vector<16xi32>
          %add3A_195 = arith.addi %get3A_106, %add3A_194 : vector<16xi32>
          tpu.vector_store_idx %arg7[%add3A_195], %gather3A_147 masked %and3A_114 {add = true} : memref<65536xf32, #tpu.memory_space<vmem>>[vector<16xi32>], vector<16xf32>, vector<16xi1>
          %add3A_196 = arith.constant 40960 : i32
          %add3A_197 = vector.broadcast %add3A_196 : i32 to vector<16xi32>
          %add3A_198 = arith.addi %get3A_106, %add3A_197 : vector<16xi32>
          tpu.vector_store_idx %arg7[%add3A_198], %gather3A_150 masked %and3A_114 {add = true} : memref<65536xf32, #tpu.memory_space<vmem>>[vector<16xi32>], vector<16xf32>, vector<16xi1>
          %add3A_199 = arith.constant 45056 : i32
          %add3A_200 = vector.broadcast %add3A_199 : i32 to vector<16xi32>
          %add3A_201 = arith.addi %get3A_106, %add3A_200 : vector<16xi32>
          tpu.vector_store_idx %arg7[%add3A_201], %gather3A_153 masked %and3A_114 {add = true} : memref<65536xf32, #tpu.memory_space<vmem>>[vector<16xi32>], vector<16xf32>, vector<16xi1>
          %add3A_202 = arith.constant 49152 : i32
          %add3A_203 = vector.broadcast %add3A_202 : i32 to vector<16xi32>
          %add3A_204 = arith.addi %get3A_106, %add3A_203 : vector<16xi32>
          tpu.vector_store_idx %arg7[%add3A_204], %gather3A_156 masked %and3A_114 {add = true} : memref<65536xf32, #tpu.memory_space<vmem>>[vector<16xi32>], vector<16xf32>, vector<16xi1>
          %add3A_205 = arith.constant 53248 : i32
          %add3A_206 = vector.broadcast %add3A_205 : i32 to vector<16xi32>
          %add3A_207 = arith.addi %get3A_106, %add3A_206 : vector<16xi32>
          tpu.vector_store_idx %arg7[%add3A_207], %gather3A_159 masked %and3A_114 {add = true} : memref<65536xf32, #tpu.memory_space<vmem>>[vector<16xi32>], vector<16xf32>, vector<16xi1>
          %add3A_208 = arith.constant 57344 : i32
          %add3A_209 = vector.broadcast %add3A_208 : i32 to vector<16xi32>
          %add3A_210 = arith.addi %get3A_106, %add3A_209 : vector<16xi32>
          tpu.vector_store_idx %arg7[%add3A_210], %gather3A_162 masked %and3A_114 {add = true} : memref<65536xf32, #tpu.memory_space<vmem>>[vector<16xi32>], vector<16xf32>, vector<16xi1>
          %add3A_211 = arith.constant 61440 : i32
          %add3A_212 = vector.broadcast %add3A_211 : i32 to vector<16xi32>
          %add3A_213 = arith.addi %get3A_106, %add3A_212 : vector<16xi32>
          tpu.vector_store_idx %arg7[%add3A_213], %gather3A_165 masked %and3A_114 {add = true} : memref<65536xf32, #tpu.memory_space<vmem>>[vector<16xi32>], vector<16xf32>, vector<16xi1>
        }
        %scan3A_101 = arith.constant 128 : i32
      }
      %mul3A_87 = arith.constant 256 : i32
      %mul3A_88 = arith.muli %add3A, %mul3A_87 : i32
      %add3A_89 = arith.addi %mul3A_88, %mul3A_0 : i32
      %mul3A_90 = arith.constant 4096 : i32
      %mul3A_91 = arith.muli %add3A_89, %mul3A_90 : i32
      "tpu.region"() ({
        %run_scoped3A = tpu.sem_alloc : memref<!tpu.dma_semaphore, #tpu.memory_space<semaphore_mem>>
        %dma_start3A = tpu.memref_slice %arg6[%mul3A_91] : memref<16777216xf32, #tpu.memory_space<hbm>> -> memref<65536xf32, #tpu.memory_space<hbm>>
        %dma_start3A_92 = tpu.memref_slice %arg6[%mul3A_91] : memref<16777216xf32, #tpu.memory_space<hbm>> -> memref<65536xf32, #tpu.memory_space<hbm>>
        tpu.enqueue_dma source(%arg7 : memref<65536xf32, #tpu.memory_space<vmem>>) target(%dma_start3A_92 : memref<65536xf32, #tpu.memory_space<hbm>>) target_semaphore(%run_scoped3A : memref<!tpu.dma_semaphore, #tpu.memory_space<semaphore_mem>>)
        %dma_wait3A = tpu.memref_slice %arg6[%mul3A_91] : memref<16777216xf32, #tpu.memory_space<hbm>> -> memref<65536xf32, #tpu.memory_space<hbm>>
        %dma_wait3A_93 = tpu.memref_slice %arg6[%mul3A_91] : memref<16777216xf32, #tpu.memory_space<hbm>> -> memref<65536xf32, #tpu.memory_space<hbm>>
        tpu.wait_dma2 semaphore(%run_scoped3A : memref<!tpu.dma_semaphore, #tpu.memory_space<semaphore_mem>>) src(%arg7 : memref<65536xf32, #tpu.memory_space<vmem>>) dst(%dma_wait3A_93 : memref<65536xf32, #tpu.memory_space<hbm>>)
        tpu.yield
      }) : () -> ()
    }
    %scan3A_9 = arith.constant 8 : i32
    return
  }
}

</mosaic_0001>

<sc_bundles>
// kernel: kernel.3.cloned.1.call-start
scs
__scs_entry_jumppad:
0x0: {  	(pc) =	sbr.rel $0x88, $3  }
0x1: {  	(tag) =	ssettag $0x0;
	lr =	simm.s32 $0x1  }
0x2: {  	[smem:$0x3F9E] =	sst lr;
	_ =	strace $0xD0000000  }
0x3: {  	_ = 	snop  }
0x4: {  	_ = 	snop  }
0x5: {  	_ = 	snop  }
0x6: {  	_ = 	snop  }
0x7: {  	_ = 	snop  }
__scs_overlays_trampoline_lowered:
0x8: {  	[smem:$0x3FAD] =	sst s0  }
0x9: {  	[smem:$0x3FAE] =	sst s1  }
0xa: {  	[smem:$0x3FAF] =	sst s2  }
0xb: {  	[smem:$0x3FB0] =	sst s3  }
0xc: {  	[smem:$0x3FB1] =	sst s4  }
0xd: {  	[smem:$0x3FB2] =	sst s5  }
0xe: {  	[smem:$0x3FB3] =	sst s6  }
0xf: {  	[smem:$0x3FB4] =	sst s7  }
0x10: {  	[smem:$0x3FB5] =	sst s8  }
0x11: {  	[smem:$0x3FB6] =	sst s9;
	s0 =	simm.s32 @!p0 $0x0  }
0x12: {  	s1 =	sld [smem:$0x3F9C];
	s0 =	simm.s32 @p0 $0x1  }
0x13: {  	[smem:$0x3FB7] =	sst s0;
	s0 =	simm.s32 @!p1 $0x0  }
0x14: {  	s2 =	sld [smem:$0x3F9B];
	s0 =	simm.s32 @p1 $0x1  }
0x15: {  	[smem:$0x3FB8] =	sst s0;
	s0 =	simm.s32 @!p2 $0x0  }
0x16: {  	s3 =	sld [smem:$0x3FDB];
	s0 =	simm.s32 @p2 $0x1  }
0x17: {  	s4 =	simm.s32 $0x1BF5;
	[smem:$0x3FBA] =	sst s0  }
0x18: {  	s0 =	sld [smem:$0x3F9D];
	_ =	swait.ge [sflag:s4], $0x0  }
0x19: {  	s7 =	sld [smem:$0x3F9E]  }
0x1a: {  	s8 =	sadd.s32 $0xFFFFE003, lr  }
0x1b: {  	s9 =	sadd.s32 $0xFFFFFEF7, lr;
	s5 =	simm.s32 $0xFFFFFFFF;
	p2 =	slt.u32 s8, $0xFFFFF086  }
0x1c: {  	p1 =	slt.u32 s9, $0xF7A;
	s5 =	simm.s32 @!p2 $0x0  }
0x1d: {  	s5 =	simm.s32 @p1 $0x1;
	p0 =	seq.s32 s7, s2  }
0x1e: {  	s7 =	smul.u32 @!p0 $0xF7A, s2;
	p2 =	seq.s32 @!p0 s5, $0x0  }
0x1f: {  	s9 =	smul.u32 $0xF7A, s1;
	s8 =	simm.s32 @!p0 $0x1BF5;
	p2 =	por !p2, p0  }
0x20: {  	[sflag:s8] =	ssyncset.s32 @!p0 $0xFFFFF086;
	s6 =	sadd.s32 @!p0 s3, s7;
	s7 =	simm.s32 @!p0 $0x108  }
0x21: {  	s3 =	sadd.s32 s3, s9;
	s6 =	sadd.s32 @!p0 $0x88, s6;
	s7 =	simm.s32 @p2 $0x1082  }
0x22: {  	[simem:s7], [sflag:s8] =	dma.local @!p0 [hbm:s6], $0xF7A  }
0x23: {  	s9 =	sor.u32 $0xD0000000, s2;
	s6 =	simm.s32 $0x108;
	_ =	swait.ge @!p0 [sflag:s8], $0x0  }
0x24: {  	s3 =	sadd.s32 $0x88, s3;
	s6 =	simm.s32 @!p1 $0x1082;
	[sflag:s4] =	ssyncset.s32 $0xFFFFF086  }
0x25: {  	[simem:s6], [sflag:s4] =	dma.local [hbm:s3], $0xF7A  }
0x26: {  	[smem:$0x3F9E] =	sst s1;
	(tag) =	ssettag s2;
	_ =	strace s9  }
0x27: {  	s1 =	sld [smem:$0x3FAE]  }
0x28: {  	s2 =	sld [smem:$0x3FAF]  }
0x29: {  	s4 =	sld [smem:$0x3FB1]  }
0x2a: {  	p0 =	seq.s32 s5, $0x0;
	s5 =	sld [smem:$0x3FB2]  }
0x2b: {  	s6 =	sld [smem:$0x3FB3]  }
0x2c: {  	s7 =	sld [smem:$0x3FB4]  }
0x2d: {  	s3 =	simm.s32 $0x108;
	s8 =	sld [smem:$0x3FB5]  }
0x2e: {  	s3 =	simm.s32 @!p0 $0x1082;
	s9 =	sld [smem:$0x3FB6]  }
0x2f: {  	lr =	sadd.s32 s0, s3;
	s0 =	sld [smem:$0x3FAD]  }
0x30: {  	s3 =	sld [smem:$0x3FB0]  }
0x31: {  	[smem:$0x3FB9] =	sst s10  }
0x32: {  	s10 =	sld [smem:$0x3FB7];
	_ =	sdelay $0x3  }
0x33: {  	p0 =	seq.s32 s10, $0x1;
	s10 =	sld [smem:$0x3FB9];
	_ =	sdelay $0x3  }
0x34: {  	[smem:$0x3FB9] =	sst s10  }
0x35: {  	s10 =	sld [smem:$0x3FB8];
	_ =	sdelay $0x3  }
0x36: {  	p1 =	seq.s32 s10, $0x1;
	s10 =	sld [smem:$0x3FB9];
	_ =	sdelay $0x3  }
0x37: {  	[smem:$0x3FB9] =	sst s10  }
0x38: {  	s10 =	sld [smem:$0x3FBA]  }
0x39: {  	_ = 	snop;
	(pc) =	sbr.ind lr, $3  }
0x3a: {  	_ = 	snop  }
0x3b: {  	_ = 	snop  }
0x3c: {  	p2 =	seq.s32 s10, $0x1;
	s10 =	sld [smem:$0x3FB9]  }
0x3d: {  	_ =	shalt  }
0x3e: {  	_ =	shalt  }
0x3f: {  	_ =	shalt  }
0x40: {  	_ =	shalt  }
0x41: {  	_ =	shalt  }
0x42: {  	_ =	shalt  }
0x43: {  	_ =	shalt  }
0x44: {  	_ =	shalt  }
0x45: {  	_ =	shalt  }
0x46: {  	_ =	shalt  }
0x47: {  	_ =	shalt  }
0x48: {  	_ =	shalt  }
0x49: {  	_ =	shalt  }
0x4a: {  	_ =	shalt  }
0x4b: {  	_ =	shalt  }
0x4c: {  	_ =	shalt  }
0x4d: {  	_ =	shalt  }
0x4e: {  	_ =	shalt  }
0x4f: {  	_ =	shalt  }
0x50: {  	_ =	shalt  }
0x51: {  	_ =	shalt  }
0x52: {  	_ =	shalt  }
0x53: {  	_ =	shalt  }
0x54: {  	_ =	shalt  }
0x55: {  	_ =	shalt  }
0x56: {  	_ =	shalt  }
0x57: {  	_ =	shalt  }
0x58: {  	_ =	shalt  }
0x59: {  	_ =	shalt  }
0x5a: {  	_ =	shalt  }
0x5b: {  	_ =	shalt  }
0x5c: {  	_ =	shalt  }
0x5d: {  	_ =	shalt  }
0x5e: {  	_ =	shalt  }
0x5f: {  	_ =	shalt  }
0x60: {  	_ =	shalt  }
0x61: {  	_ =	shalt  }
0x62: {  	_ =	shalt  }
0x63: {  	_ =	shalt  }
0x64: {  	_ =	shalt  }
0x65: {  	_ =	shalt  }
0x66: {  	_ =	shalt  }
0x67: {  	_ =	shalt  }
0x68: {  	_ =	shalt  }
0x69: {  	_ =	shalt  }
0x6a: {  	_ =	shalt  }
0x6b: {  	_ =	shalt  }
0x6c: {  	_ =	shalt  }
0x6d: {  	_ =	shalt  }
0x6e: {  	_ =	shalt  }
0x6f: {  	_ =	shalt  }
0x70: {  	_ =	shalt  }
0x71: {  	_ =	shalt  }
0x72: {  	_ =	shalt  }
0x73: {  	_ =	shalt  }
0x74: {  	_ =	shalt  }
0x75: {  	_ =	shalt  }
0x76: {  	_ =	shalt  }
0x77: {  	_ =	shalt  }
0x78: {  	_ =	shalt  }
0x79: {  	_ =	shalt  }
0x7a: {  	_ =	shalt  }
0x7b: {  	_ =	shalt  }
0x7c: {  	_ =	shalt  }
0x7d: {  	_ =	shalt  }
0x7e: {  	_ =	shalt  }
0x7f: {  	_ =	shalt  }
0x80: {  	_ =	shalt  }
0x81: {  	_ =	shalt  }
0x82: {  	_ =	shalt  }
0x83: {  	_ =	shalt  }
0x84: {  	_ =	shalt  }
0x85: {  	_ =	shalt  }
0x86: {  	_ =	shalt  }
0x87: {  	_ =	shalt  }
.Lfunc_end0:
.L_simem_size_0:
called_computation.2_lowered:
.L_overlay_start_0:
0x88: {  	s2 =	sld [smem:$0x3FD9]  }
0x89: {  	s3 =	sld [smem:$0x3FFE];
	_ =	sdelay $0x1  }
0x8a: {  	s1 =	srdreg.scid  }
0x8b: {  	s0 =	sand.u32 $0x1, s1  }
0x8c: {  	s17 =	sshll.u32 s0, $0xA;
	s2 =	sadd.s32 s3, s2  }
0x8d: {  	s2 =	sadd.s32 s2, s17  }
0x8e: {  	[smem:$0x3FC5] =	sst s2  }
0x8f: {  	_ = 	snop  }
0x90: {  	s2 =	sld [smem:$0x3FC7]  }
0x91: {  	s18 =	sld [smem:$0x3FD0];
	(tm) =	ssettm $0x1  }
0x92: {  	s4 =	sld [smem:$0x3FFB];
	_ =	sdelay $0x3  }
0x93: {  	_ =	strace s4  }
0x94: {  	s4 =	sld [smem:$0x3FFC];
	_ =	sdelay $0x3  }
0x95: {  	_ =	strace s4  }
0x96: {  	s4 =	sld [smem:$0x3FFD];
	_ =	sdelay $0x3  }
0x97: {  	_ =	strace s4  }
0x98: {  	_ =	strace $0x8FFFFFFF  }
0x99: {  	s19 =	sld [smem:$0x3FDB];
	_ =	sdelay $0x1  }
0x9a: {  	s5 =	simm.s32 $_scs_section_size  }
0x9b: {  	s6 =	simm.s32 $_size__tile_overlayer_lowered;
	s7 =	simm.s32 $_tile_overlayer_lowered  }
0x9c: {  	s22 =	simm.s32 $0x1BFF;
	s21 =	sshll.u32 s7, $0x1;
	s4 =	sadd.s32 s5, s19  }
0x9d: {  	s8 =	simm.s32 $0x0;
	s20 =	sshll.u32 s6, $0x1;
	s6 =	sadd.s32 s21, s4  }
0x9e: {  	[timem:s8], [sflag:s22] =	dma.local [hbm:s6], s20  }
0x9f: {  	_ =	swait.ge [sflag:s22], s20  }
0xa0: {  	s5 =	ssub.s32 $0x0, s20;
	[sflag:s22] =	ssyncset.done $0x0  }
0xa1: {  	[sflag:s22] =	ssyncadd.s32 s5;
	_ =	sdelay $0x1  }
0xa2: {  	s23 =	simm.s32 $0x1B8B  }
0xa3: {  	_ =	swait.ge [sflag:s23], $0x1  }
0xa4: {  	[sflag:s23] =	ssyncset.done $0x0  }
0xa5: {  	s25 =	simm.s32 $0x1B8E;
	s24 =	sld [smem:$0x3FFE];
	[sflag:s23] =	ssyncadd.s32 $0xFFFFFFFF  }
0xa6: {  	s26 =	simm.s32 $execute0_lowered;
	[smem:$0x3FD2] =	sst s25  }
0xa7: {  	s6 =	sshll.u32 s26, $0x1;
	_ =	strace $0x80000049;
	[dreg:$0x1] =	wrdreg $0xFFFFFFFF  }
0xa8: {  	s28 =	simm.s32 $_size_execute0_lowered;
	s4 =	sadd.s32 s4, s6;
	[dreg:$0x0] =	wrdreg $0x0  }
0xa9: {  	s6 =	sshll.u32 s28, $0x1;
	[dreg:$0x2] =	wrdreg s4  }
0xaa: {  	[dreg:$0x3] =	wrdreg s6  }
0xab: {  	[dreg:$0x4] =	wrdreg $0xC0  }
0xac: {  	_ =	task [dreg:s8], $0x5FFFF  }
0xad: {  	[dreg:$0x1] =	wrdreg $0xFFFFFFFF  }
0xae: {  	[dreg:$0x0] =	wrdreg $0x60  }
0xaf: {  	[dreg:$0x2] =	wrdreg s24  }
0xb0: {  	[dreg:$0x3] =	wrdreg s2  }
0xb1: {  	[dreg:$0x4] =	wrdreg s18  }
0xb2: {  	[dreg:$0x5] =	wrdreg $0x9  }
0xb3: {  	_ =	task.clear_ibuf [dreg:s8], $0x6FFFF;
	_ =	strace $0x90000049  }
0xb4: {  	s29 =	simm.s32 $0x9;
	_ =	strace $0x8000004B  }
0xb5: {  	_ =	swait.ge [sflag:s29], $0x1  }
0xb6: {  	[sflag:s29] =	ssyncadd.s32 $0xFFFFFFFF  }
0xb7: {  	_ =	strace $0x9000004B  }
0xb8: {  	_ =	sfence  }
0xb9: {  	s30 =	sld [smem:$0x0];
	_ =	sdelay $0x2  }
0xba: {  	s31 =	sshll.u32 s1, $0xD;
	s1 =	sshrl.u32 s1, $0x2  }
0xbb: {  	s3 =	sand.u32 $0x4000, s31;
	s1 =	sadd.s32 s1, s30  }
0xbc: {  	s0 =	sor.u32 s3, s0;
	s1 =	sshll.u32 s1, $0x11  }
0xbd: {  	s0 =	sor.u32 s1, s0  }
0xbe: {  	s0 =	sadd.s32 $0x8F2B, s0  }
0xbf: {  	[sflag:s0] =	ssyncadd.remote.s32 $0x1  }
0xc0: {  	_ =	sfence.sel $0xFFFF  }
0xc1: {  	[dreg:$0x0] =	wrdreg $0xFFFFFFFF;
	(pc) =	sbr.abs _section_cstart, $3  }
0xc2: {  	[dreg:$0x1] =	wrdreg $0xFFFFFFFF  }
0xc3: {  	_ =	task.clear_ibuf [dreg:s8], $0x2FFFF;
	_ =	strace $0x9FFFFFFF  }
0xc4: {  	(tm) =	ssettm $0x7FFFFFFF  }
0xc5: {  	_ =	shalt  }
tec
execute0_lowered:
.L_overlay_start_1:
0x0: {  	(tag) =	ssettag $0x1  }
0x1: {  	s3 =	rddreg [dreg:$0x0]  }
0x2: {  	s1 =	rddreg [dreg:$0x1]  }
0x3: {  	s9 =	rddreg [dreg:$0x2]  }
0x4: {  	s0 =	rddreg [dreg:$0x3];
	s2 =	simm.s32 $0x0  }
0x5: {  	s4 =	srdreg.scid;
	s12 =	simm.s32 $0x1;
	s13 =	simm.s32 $0x18810  }
0x6: {  	s14 =	simm.s32 $0x10;
	s15 =	simm.s32 $0x100;
	s16 =	simm.s32 $0x10000  }
0x7: {  	s17 =	simm.s32 $0x0;
	[smem:$0x7FF] =	sst s2;
	s7 =	sand.u32 $0x1, s4  }
.Ltmp0:
0x8: {  	s4 =	sadd.s32 $0x1400, s3;
	s5 =	sadd.s32 $0x101600, s3;
	(pc) =	sbr.rel .LBB2_1-.Ltmp0, $4  }
0x9: {  	s6 =	sadd.s32 $0x101400, s3;
	s3 =	stileid.u32;
	s8 =	ssub.s32 $0x2, s7  }
0xa: {  	_ =	strace $0x8000004A;
	s11 =	sshll.u32 s3, $0xD;
	s10 =	sshrl.u32 s8, $0x1  }
0xb: {  	v0 =	vlaneseq.u32;
	s7 =	sshll.u32 s7, $0x3;
	s9 =	sadd.s32 s9, s11;
	s10 =	ssub.s32 s8, s10  }
0xc: {  	v1 =	vimm.f32 $0.0e+00;
	v2 =	vmul.u32 $0x10, v0;
	s11 =	simm.s32 $0x18800;
	s8 =	sshll.u32 s3, $0x4;
	s10 =	smax.u32 s10, $0x1  }
.LBB2_10:
0xd: {  	s17 =	sadd.s32 $0x1, s17  }
0xe: {  	p0 =	sne.s32 s17, s10  }
.Ltmp1:
0xf: {  	_ = 	snop;
	(pc) =	sbr.rel @!p0 .LBB2_11-.Ltmp1, $1  }
0x10: {  	_ =	sdelay $0x3  }
.LBB2_1:
0x11: {  	[tilespmem:s11], [sflag:$0x1] =	stream.linear.gather [hbm4b:s5+s2], $0x10, $0x38;
	[tilespmem:$0x18820] =	vst v63  }
0x12: {  	_ =	swait.ge [sflag:s12], $0x10  }
0x13: {  	[sflag:s12] =	ssyncset.done $0x0  }
0x14: {  	[sflag:s12] =	ssyncadd.s32 $0xFFFFFFF0  }
0x15: {  	[tilespmem:s13], [sflag:$0x1] =	stream.linear.gather [hbm4b:s6+s2], $0x10, $0x38;
	[tilespmem:$0x18820] =	vst v63  }
.Ltmp2:
0x16: {  	_ =	swait.ge [sflag:s12], $0x10;
	(pc) =	sbr.rel .LBB2_2-.Ltmp2, $4  }
0x17: {  	[sflag:s12] =	ssyncset.done $0x0  }
0x18: {  	[sflag:s12] =	ssyncadd.s32 $0xFFFFFFF0  }
0x19: {  	v3 =	vld [tilespmem:$0x18800]  }
0x1a: {  	s18 =	simm.s32 $0x0;
	v4 =	vld [tilespmem:$0x18810]  }
.LBB2_9:
0x1b: {  	s18 =	sadd.s32 $0x1, s18  }
0x1c: {  	s19 =	sshll.u32 s19, $0x11;
	p0 =	sne.s32 s18, $0x8  }
.Ltmp3:
0x1d: {  	s19 =	sadd.s32 s19, s9;
	(pc) =	sbr.rel @!p0 .LBB2_10-.Ltmp3, $4  }
0x1e: {  	[hbm4b:s19+s2] =	stream.linear.scatter [tilespmem:s2], [sflag:$0x1], $0x10000, $0x38;
	[tilespmem:$0x18820] =	vst v63  }
0x1f: {  	_ =	swait.ge [sflag:s12], $0x10000  }
0x20: {  	[sflag:s12] =	ssyncset.done $0x0  }
0x21: {  	[sflag:s12] =	ssyncadd.s32 $0xFFFF0000  }
.LBB2_2:
0x22: {  	s22 =	simm.s32 $0x0;
	s19 =	simm.s32 $0x40  }
.LBB2_3:
0x23: {  	p0 =	sne.s32 s19, $0x3FC0;
	[tilespmem:s22+$0xF000] =	vst v1  }
0x24: {  	[tilespmem:s22+$0x0] =	vst v1  }
0x25: {  	[tilespmem:s22+$0x1000] =	vst v1  }
0x26: {  	[tilespmem:s22+$0x2000] =	vst v1  }
0x27: {  	[tilespmem:s22+$0x3000] =	vst v1  }
0x28: {  	[tilespmem:s22+$0x4000] =	vst v1  }
0x29: {  	[tilespmem:s22+$0x5000] =	vst v1  }
0x2a: {  	[tilespmem:s22+$0x6000] =	vst v1  }
0x2b: {  	[tilespmem:s22+$0x7000] =	vst v1  }
0x2c: {  	[tilespmem:s22+$0x8000] =	vst v1  }
0x2d: {  	[tilespmem:s22+$0x9000] =	vst v1  }
.Ltmp4:
0x2e: {  	[tilespmem:s22+$0xA000] =	vst v1;
	(pc) =	sbr.rel @p0 .LBB2_3-.Ltmp4, $4  }
0x2f: {  	[tilespmem:s22+$0xB000] =	vst v1  }
0x30: {  	[tilespmem:s22+$0xC000] =	vst v1  }
0x31: {  	[tilespmem:s22+$0xD000] =	vst v1  }
0x32: {  	[tilespmem:s22+$0xE000] =	vst v1;
	s22 =	sshra.s32 s19, $0x2;
	s19 =	sadd.s32 $0x40, s19  }
0x33: {  	s19 =	sadd.s32 s7, s18  }
0x34: {  	v5 =	vmov s19  }
0x35: {  	vm0 =	veq.s32 v5, v0  }
0x36: {  	v5 =	vnsel vm0, $0x0, v3  }
0x37: {  	(xrf0) =	vadd.scan.msk.s32 $0xffff, v5;
	v5 =	vnsel vm0, $0x0, v4  }
0x38: {  	(xrf0) =	vadd.scan.msk.s32 $0xffff, v5;
	_ =	sdelay $0x4  }
0x39: {  	v5, _, _ =	vpop (xrf0)  }
0x3a: {  	(v2sf) =	vpush v5, $0xF;
	v6, _, _ =	vpop (xrf0)  }
0x3b: {  	(v2sf) =	vpush v6, $0xF;
	_ =	sdelay $0xd  }
0x3c: {  	s20 =	spop (v2sf)  }
0x3d: {  	[tilespmem:s22+$0xF000] =	vst v1;
	s21 =	spop (v2sf);
	s23 =	sshra.s32 s20, $0x1F;
	s24 =	sand.u32 $0x7FF, s20  }
0x3e: {  	[tilespmem:s22+$0x0] =	vst v1;
	p0 =	slt.s32 s20, $0x1;
	s23 =	sshrl.u32 s23, $0x15;
	p1 =	sne.s32 s24, $0x0  }
0x3f: {  	[tilespmem:s22+$0x1000] =	vst v1;
	s21 =	sadd.s32 $0x7FF, s21;
	s20 =	sadd.s32 s23, s20;
	p0 =	por !p0, !p1  }
0x40: {  	[tilespmem:s22+$0x2000] =	vst v1;
	s30 =	sand.u32 $0x7FF, s21;
	s31 =	sshra.s32 s21, $0x1F;
	p6 =	slt.s32 s21, $0x1  }
0x41: {  	[tilespmem:s22+$0x3000] =	vst v1;
	s23 =	sshra.s32 s20, $0xB;
	p0 =	por !p0, !p0;
	p2 =	sne.s32 s30, $0x0  }
0x42: {  	[tilespmem:s22+$0x4000] =	vst v1;
	s20 =	simm.s32 $0x1;
	s24 =	sshrl.u32 s31, $0x15;
	p1 =	por !p6, !p2  }
0x43: {  	[tilespmem:s22+$0x5000] =	vst v1;
	s21 =	sadd.s32 s24, s21;
	s24 =	simm.s32 $0x1;
	p1 =	por !p1, !p1  }
0x44: {  	[tilespmem:s22+$0x6000] =	vst v1;
	s20 =	simm.s32 @!p0 $0x0;
	s21 =	sshra.s32 s21, $0xB;
	s24 =	simm.s32 @!p1 $0x0  }
0x45: {  	[tilespmem:s22+$0x7000] =	vst v1;
	s20 =	ssub.s32 s23, s20;
	s21 =	ssub.s32 s21, s24  }
0x46: {  	[tilespmem:s22+$0x8000] =	vst v1;
	s21 =	ssub.s32 s21, s20  }
0x47: {  	[tilespmem:s22+$0x9000] =	vst v1;
	p1 =	slt.s32 s21, $0x1  }
.Ltmp5:
0x48: {  	[tilespmem:s22+$0xA000] =	vst v1;
	(pc) =	sbr.rel @p1 .LBB2_9-.Ltmp5, $4  }
0x49: {  	[tilespmem:s22+$0xB000] =	vst v1  }
0x4a: {  	[tilespmem:s22+$0xC000] =	vst v1  }
0x4b: {  	[tilespmem:s22+$0xD000] =	vst v1  }
0x4c: {  	[tilespmem:s22+$0xE000] =	vst v1  }
0x4d: {  	s22 =	simm.s32 $0xFFFFFFFF  }
0x4e: {  	s22 =	simm.s32 @!p0 $0x0  }
0x4f: {  	s23 =	sshll.u32 s23, $0xB;
	s22 =	sshll.u32 s22, $0xB  }
0x50: {  	v5 =	vbroadcast v5, $0xF;
	v6 =	vbroadcast v6, $0xF;
	s24 =	simm.s32 $0x0;
	s22 =	sadd.s32 s22, s23;
	s23 =	simm.s32 $0x0  }
.LBB2_6:
0x51: {  	s25 =	sadd.s32 s20, s24  }
0x52: {  	s26 =	sshll.u32 s25, $0x13  }
0x53: {  	s26 =	sor.u32 s8, s26  }
0x54: {  	s26 =	sshrl.u32 s26, $0x3  }
0x55: {  	s26 =	sadd.s32 s4, s26  }
0x56: {  	[tilespmem:s16], [sflag:$0x1] =	stream.strided.gather [hbm4b:s26+s14], $0x8000, s15, s14, $0x38;
	[tilespmem:$0x18820] =	vst v63  }
0x57: {  	v7 =	vmov s23;
	s25 =	sshll.u32 s25, $0x8;
	_ =	swait.ge [sflag:s12], $0x8000  }
0x58: {  	v7 =	vshll.u32 v7, $0x4;
	s25 =	sand.u32 $0x1FFFFF00, s25;
	[sflag:s12] =	ssyncset.done $0x0  }
0x59: {  	v13 =	vor.u32 v2, v7;
	s30 =	sadd.s32 s1, s25;
	s25 =	simm.s32 $0x18000;
	[sflag:s12] =	ssyncadd.s32 $0xFFFF8000  }
0x5a: {  	[tilespmem:s25], [sflag:$0x1] =	stream.linear.gather [hbm4b:s30+s23], $0x800, $0x38;
	[tilespmem:$0x18820] =	vst v63  }
0x5b: {  	v7 =	vor.u32 $0xB, v13;
	_ =	swait.ge [sflag:s12], $0x800  }
0x5c: {  	v9 =	vor.u32 $0xC, v13;
	[sflag:s12] =	ssyncset.done $0x0  }
0x5d: {  	v11 =	vor.u32 $0x6, v13;
	[sflag:s12] =	ssyncadd.s32 $0xFFFFF800  }
0x5e: {  	v12 =	vor.u32 $0x9, v13;
	v17 =	vld.idx.msk [tilespmem:v13+s16+$0x0], $0xffff  }
0x5f: {  	v14 =	vor.u32 $0xA, v13;
	v10 =	vld [tilespmem:s25+$0x0]  }
0x60: {  	v15 =	vor.u32 $0x3, v13;
	v8 =	vld.idx.msk [tilespmem:v7+s16+$0x0], $0xffff  }
0x61: {  	v16 =	vor.u32 $0xF, v13;
	v7 =	vld.idx.msk [tilespmem:v9+s16+$0x0], $0xffff  }
0x62: {  	v18 =	vor.u32 $0x7, v13;
	v20 =	vld.idx.msk [tilespmem:v11+s16+$0x0], $0xffff  }
0x63: {  	v19 =	vor.u32 $0x4, v13;
	v12 =	vld.idx.msk [tilespmem:v12+s16+$0x0], $0xffff  }
0x64: {  	v21 =	vor.u32 $0x2, v13;
	v11 =	vld.idx.msk [tilespmem:v14+s16+$0x0], $0xffff  }
0x65: {  	v14 =	vor.u32 $0x5, v13;
	v22 =	vld.idx.msk [tilespmem:v15+s16+$0x0], $0xffff  }
0x66: {  	s31 =	sadd.s32 $0x0, s22;
	v15 =	vor.u32 $0x1, v13;
	v9 =	vld.idx.msk [tilespmem:v16+s16+$0x0], $0xffff  }
0x67: {  	v16 =	vor.u32 s31, v0;
	v23 =	vld.idx.msk [tilespmem:v18+s16+$0x0], $0xffff;
	v18 =	vor.u32 $0xE, v13  }
0x68: {  	v19 =	vld.idx.msk [tilespmem:v19+s16+$0x0], $0xffff;
	vm0 =	vge.s32 v16, v5;
	vm1 =	vlt.s32 v16, v6;
	v16 =	vor.u32 $0xD, v13  }
0x69: {  	v21 =	vld.idx.msk [tilespmem:v21+s16+$0x0], $0xffff;
	v13 =	vor.u32 $0x8, v13;
	vm0 =	vmand vm0, vm1  }
0x6a: {  	v24 =	vld.idx.msk [tilespmem:v14+s16+$0x0], $0xffff  }
0x6b: {  	v25 =	vld.idx.msk [tilespmem:v15+s16+$0x0], $0xffff;
	v26 =	vadd.s32 $0x1000, v10  }
0x6c: {  	v14 =	vld.idx.msk [tilespmem:v18+s16+$0x0], $0xffff;
	v18 =	vadd.s32 $0x2000, v10  }
0x6d: {  	v27 =	vadd.s32 $0x3000, v10;
	v15 =	vld.idx.msk [tilespmem:v16+s16+$0x0], $0xffff  }
0x6e: {  	v16 =	vld.idx.msk [tilespmem:v13+s16+$0x0], $0xffff;
	v13 =	vadd.s32 $0x4000, v10  }
0x6f: {  	[tilespmem:v10+s2+$0x0] =	vst.idx.add.f32.msk vm0, v17;
	v17 =	vadd.s32 $0x5000, v10  }
0x70: {  	v28 =	vadd.s32 $0x6000, v10;
	[tilespmem:v26+s2+$0x0] =	vst.idx.add.f32.msk vm0, v25  }
0x71: {  	v63 =	vadd.s32 $0x7000, v10;
	[tilespmem:v18+s2+$0x0] =	vst.idx.add.f32.msk vm0, v21  }
0x72: {  	[tilespmem:v27+s2+$0x0] =	vst.idx.add.f32.msk vm0, v22  }
0x73: {  	v22 =	vadd.s32 $0x8000, v10;
	[tilespmem:v13+s2+$0x0] =	vst.idx.add.f32.msk vm0, v19  }
0x74: {  	v21 =	vadd.s32 $0x9000, v10;
	[tilespmem:v17+s2+$0x0] =	vst.idx.add.f32.msk vm0, v24  }
0x75: {  	v18 =	vadd.s32 $0xC000, v10;
	v19 =	vadd.s32 $0xA000, v10;
	[tilespmem:v28+s2+$0x0] =	vst.idx.add.f32.msk vm0, v20  }
0x76: {  	s26 =	simm.s32 $0x10;
	v13 =	vadd.s32 $0xE000, v10;
	v17 =	vadd.s32 $0xD000, v10;
	v20 =	vadd.s32 $0xB000, v10;
	[tilespmem:v63+s2+$0x0] =	vst.idx.add.f32.msk vm0, v23  }
.LBB2_7:
0x77: {  	p0 =	sne.s32 s26, $0x7F0  }
0x78: {  	v23 =	vmov s26;
	[tilespmem:v22+s2+$0x0] =	vst.idx.add.f32.msk vm0, v16;
	s25 =	sadd.s32 $0x10, s25;
	s28 =	smov.u32 s26;
	s26 =	sadd.s32 $0x10, s26  }
0x79: {  	v10 =	vadd.s32 $0xF000, v10;
	v16 =	vshll.u32 v23, $0x4;
	[tilespmem:v21+s2+$0x0] =	vst.idx.add.f32.msk vm0, v12  }
0x7a: {  	v16 =	vor.u32 v2, v16;
	[tilespmem:v19+s2+$0x0] =	vst.idx.add.f32.msk vm0, v11  }
0x7b: {  	v19 =	vor.u32 $0x1, v16;
	v11 =	vor.u32 $0x6, v16;
	v21 =	vor.u32 $0x8, v16;
	[tilespmem:v20+s2+$0x0] =	vst.idx.add.f32.msk vm0, v8  }
0x7c: {  	v20 =	vor.u32 $0x2, v16;
	v22 =	vor.u32 $0x4, v16;
	v8 =	vor.u32 $0xB, v16;
	[tilespmem:v18+s2+$0x0] =	vst.idx.add.f32.msk vm0, v7  }
0x7d: {  	v23 =	vor.u32 $0xF, v16;
	v18 =	vor.u32 $0x7, v16;
	v7 =	vor.u32 $0xC, v16;
	[tilespmem:v17+s2+$0x0] =	vst.idx.add.f32.msk vm0, v15  }
0x7e: {  	v12 =	vor.u32 $0x9, v16;
	v15 =	vor.u32 $0x3, v16;
	v17 =	vor.u32 $0x5, v16;
	[tilespmem:v13+s2+$0x0] =	vst.idx.add.f32.msk vm0, v14  }
0x7f: {  	v13 =	vor.u32 $0xA, v16;
	[tilespmem:v10+s2+$0x0] =	vst.idx.add.f32.msk vm0, v9  }
0x80: {  	v24 =	vld.idx.msk [tilespmem:v16+s16+$0x0], $0xffff  }
0x81: {  	v10 =	vld [tilespmem:s25+$0x0]  }
0x82: {  	v8 =	vld.idx.msk [tilespmem:v8+s16+$0x0], $0xffff  }
0x83: {  	v7 =	vld.idx.msk [tilespmem:v7+s16+$0x0], $0xffff  }
0x84: {  	v25 =	vld.idx.msk [tilespmem:v11+s16+$0x0], $0xffff  }
0x85: {  	v12 =	vld.idx.msk [tilespmem:v12+s16+$0x0], $0xffff  }
0x86: {  	v11 =	vld.idx.msk [tilespmem:v13+s16+$0x0], $0xffff;
	v13 =	vadd.s32 $0xE000, v10  }
0x87: {  	v26 =	vld.idx.msk [tilespmem:v15+s16+$0x0], $0xffff  }
0x88: {  	s28 =	sadd.s32 s28, s22;
	v9 =	vld.idx.msk [tilespmem:v23+s16+$0x0], $0xffff  }
0x89: {  	v14 =	vor.u32 s28, v0;
	v15 =	vor.u32 $0xE, v16;
	v23 =	vld.idx.msk [tilespmem:v18+s16+$0x0], $0xffff  }
0x8a: {  	vm0 =	vge.s32 v14, v5;
	vm1 =	vlt.s32 v14, v6;
	v16 =	vor.u32 $0xD, v16;
	v18 =	vld.idx.msk [tilespmem:v22+s16+$0x0], $0xffff  }
0x8b: {  	vm0 =	vmand vm0, vm1;
	v20 =	vld.idx.msk [tilespmem:v20+s16+$0x0], $0xffff  }
0x8c: {  	v17 =	vld.idx.msk [tilespmem:v17+s16+$0x0], $0xffff  }
0x8d: {  	v22 =	vadd.s32 $0x1000, v10;
	v19 =	vld.idx.msk [tilespmem:v19+s16+$0x0], $0xffff  }
0x8e: {  	v27 =	vadd.s32 $0x2000, v10;
	v14 =	vld.idx.msk [tilespmem:v15+s16+$0x0], $0xffff  }
0x8f: {  	v28 =	vadd.s32 $0x3000, v10;
	v15 =	vld.idx.msk [tilespmem:v16+s16+$0x0], $0xffff  }
0x90: {  	v29 =	vadd.s32 $0x4000, v10;
	v16 =	vld.idx.msk [tilespmem:v21+s16+$0x0], $0xffff  }
0x91: {  	[tilespmem:v10+s2+$0x0] =	vst.idx.add.f32.msk vm0, v24;
	v24 =	vadd.s32 $0x5000, v10  }
0x92: {  	v30 =	vadd.s32 $0x6000, v10  }
0x93: {  	v31 =	vadd.s32 $0x7000, v10;
	[tilespmem:v22+s2+$0x0] =	vst.idx.add.f32.msk vm0, v19  }
0x94: {  	v22 =	vadd.s32 $0x8000, v10;
	[tilespmem:v27+s2+$0x0] =	vst.idx.add.f32.msk vm0, v20  }
.Ltmp6:
0x95: {  	v21 =	vadd.s32 $0x9000, v10;
	[tilespmem:v28+s2+$0x0] =	vst.idx.add.f32.msk vm0, v26;
	(pc) =	sbr.rel @p0 .LBB2_7-.Ltmp6, $4  }
0x96: {  	v19 =	vadd.s32 $0xA000, v10;
	[tilespmem:v29+s2+$0x0] =	vst.idx.add.f32.msk vm0, v18  }
0x97: {  	v20 =	vadd.s32 $0xB000, v10;
	[tilespmem:v24+s2+$0x0] =	vst.idx.add.f32.msk vm0, v17  }
0x98: {  	v18 =	vadd.s32 $0xC000, v10;
	[tilespmem:v30+s2+$0x0] =	vst.idx.add.f32.msk vm0, v25  }
0x99: {  	v17 =	vadd.s32 $0xD000, v10;
	[tilespmem:v31+s2+$0x0] =	vst.idx.add.f32.msk vm0, v23  }
0x9a: {  	_ =	sdelay $0x4  }
0x9b: {  	[tilespmem:v22+s2+$0x0] =	vst.idx.add.f32.msk vm0, v16  }
0x9c: {  	s24 =	sadd.s32 $0x1, s24;
	[tilespmem:v21+s2+$0x0] =	vst.idx.add.f32.msk vm0, v12  }
0x9d: {  	v10 =	vadd.s32 $0xF000, v10;
	p0 =	sne.s32 s24, s21;
	[tilespmem:v19+s2+$0x0] =	vst.idx.add.f32.msk vm0, v11  }
.Ltmp7:
0x9e: {  	[tilespmem:v20+s2+$0x0] =	vst.idx.add.f32.msk vm0, v8;
	(pc) =	sbr.rel @p0 .LBB2_6-.Ltmp7, $4  }
.Ltmp8:
0x9f: {  	[tilespmem:v18+s2+$0x0] =	vst.idx.add.f32.msk vm0, v7;
	(pc) =	sbr.rel @!p0 .LBB2_9-.Ltmp8, $4  }
0xa0: {  	[tilespmem:v17+s2+$0x0] =	vst.idx.add.f32.msk vm0, v15  }
0xa1: {  	[tilespmem:v13+s2+$0x0] =	vst.idx.add.f32.msk vm0, v14  }
0xa2: {  	s22 =	sadd.s32 $0x800, s22;
	[tilespmem:v10+s2+$0x0] =	vst.idx.add.f32.msk vm0, v9  }
0xa3: {  	_ = 	snop  }
.LBB2_11:
0xa4: {  	_ =	sfence.sel $0x180000  }
0xa5: {  	[bflag:$0x0] =	sbarrier.arrive $0xFFFF  }
0xa6: {  	p0 =	sne.s32 s3, $0x0;
	_ =	strace $0x9000004A  }
0xa7: {  	s0 =	sadd.s32 @!p0 $0x100000, s0;
	[bflag:$0x2] =	sbarrier.arrive $0xFFFF  }
0xa8: {  	[sflag:s0] =	ssyncadd.tile.s32 @!p0 $0x1;
	_ =	shalt  }
.Lfunc_end2:
_tile_overlayer_lowered:
.L_overlay_start_2:
0xa9: {  	(tag) =	ssettag $0x2  }
0xaa: {  	s0 =	rddreg [dreg:$0x0];
	s2 =	stileid.u32  }
0xab: {  	s1 =	rddreg [dreg:$0x1];
	p0 =	sne.s32 s2, $0x0  }
0xac: {  	s3 =	rddreg [dreg:$0x2];
	[bflag:$0x3] =	sbarrier.arrive $0xFFFF;
	s2 =	simm.s32 @!p0 $0x1C01  }
0xad: {  	[timem:s3], [sflag:s2] =	dma.local @!p0 [hbm:s0], s1  }
0xae: {  	s0 =	simm.s32 @!p0 $0x1  }
0xaf: {  	_ =	swait.ge @!p0 [sflag:s0], s1  }
0xb0: {  	s1 =	ssub.s32 @!p0 $0x0, s1;
	[sflag:s0] =	ssyncset.done @!p0 $0x0  }
0xb1: {  	[sflag:s0] =	ssyncadd.s32 @!p0 s1  }
0xb2: {  	[bflag:$0x3] =	sbarrier.arrive $0xFFFF  }
0xb3: {  	_ =	shalt  }

// kernel: sparse-core-data-format-call.1.cloned.1.call-start
scs
called_computation.1_lowered:
.L_overlay_start_0:
0x0: {  	s2 =	sld [smem:$0x3FD9]  }
0x1: {  	s3 =	sld [smem:$0x3FFE];
	_ =	sdelay $0x1  }
0x2: {  	s1 =	srdreg.scid  }
0x3: {  	s0 =	sand.u32 $0x1, s1  }
0x4: {  	s18 =	sshll.u32 s0, $0xA;
	s2 =	sadd.s32 s3, s2  }
0x5: {  	s2 =	sadd.s32 s2, s18  }
0x6: {  	[smem:$0x3FC5] =	sst s2  }
0x7: {  	_ = 	snop  }
0x8: {  	s2 =	sld [smem:$0x3FC9];
	(tm) =	ssettm $0x1  }
0x9: {  	s19 =	sld [smem:$0x3FFB];
	_ =	sdelay $0x3  }
0xa: {  	_ =	strace s19  }
0xb: {  	s3 =	sld [smem:$0x3FFC];
	_ =	sdelay $0x3  }
0xc: {  	_ =	strace s3  }
0xd: {  	s3 =	sld [smem:$0x3FFD];
	_ =	sdelay $0x3  }
0xe: {  	_ =	strace s3  }
0xf: {  	_ =	strace $0x8FFFFFFF  }
0x10: {  	s20 =	sld [smem:$0x3FDB];
	_ =	sdelay $0x1  }
0x11: {  	s4 =	simm.s32 $_scs_section_size  }
0x12: {  	s5 =	simm.s32 $_size__tile_overlayer_lowered;
	s6 =	simm.s32 $_tile_overlayer_lowered  }
0x13: {  	s23 =	simm.s32 $0x1BFF;
	s22 =	sshll.u32 s6, $0x1;
	s3 =	sadd.s32 s4, s20  }
0x14: {  	s7 =	simm.s32 $0x0;
	s21 =	sshll.u32 s5, $0x1;
	s5 =	sadd.s32 s22, s3  }
0x15: {  	[timem:s7], [sflag:s23] =	dma.local [hbm:s5], s21  }
0x16: {  	_ =	swait.ge [sflag:s23], s21  }
0x17: {  	s4 =	ssub.s32 $0x0, s21;
	[sflag:s23] =	ssyncset.done $0x0  }
0x18: {  	[sflag:s23] =	ssyncadd.s32 s4;
	_ =	sdelay $0x1  }
0x19: {  	s24 =	simm.s32 $0x1B8B  }
0x1a: {  	_ =	swait.ge [sflag:s24], $0x1  }
0x1b: {  	[sflag:s24] =	ssyncset.done $0x0  }
0x1c: {  	s26 =	simm.s32 $0x1B8E;
	s25 =	sld [smem:$0x3FFE];
	[sflag:s24] =	ssyncadd.s32 $0xFFFFFFFF  }
0x1d: {  	s27 =	simm.s32 $execute0_lowered;
	[smem:$0x3FD2] =	sst s26  }
0x1e: {  	s5 =	sshll.u32 s27, $0x1;
	_ =	strace $0x80000046;
	[dreg:$0x1] =	wrdreg $0xFFFFFFFF  }
0x1f: {  	s28 =	simm.s32 $_size_execute0_lowered;
	s3 =	sadd.s32 s3, s5;
	[dreg:$0x0] =	wrdreg $0x0  }
0x20: {  	s5 =	sshll.u32 s28, $0x1;
	[dreg:$0x2] =	wrdreg s3  }
0x21: {  	[dreg:$0x3] =	wrdreg s5  }
0x22: {  	[dreg:$0x4] =	wrdreg $0xC0  }
0x23: {  	_ =	task [dreg:s7], $0x5FFFF  }
0x24: {  	[dreg:$0x1] =	wrdreg $0xFFFFFFFF  }
0x25: {  	[dreg:$0x0] =	wrdreg $0x60  }
0x26: {  	[dreg:$0x2] =	wrdreg s2  }
0x27: {  	[dreg:$0x3] =	wrdreg s25  }
0x28: {  	[dreg:$0x4] =	wrdreg $0x9  }
0x29: {  	_ =	task.clear_ibuf [dreg:s7], $0x5FFFF;
	_ =	strace $0x90000046  }
0x2a: {  	s29 =	simm.s32 $0x9;
	_ =	strace $0x80000048  }
0x2b: {  	_ =	swait.ge [sflag:s29], $0x1  }
0x2c: {  	[sflag:s29] =	ssyncadd.s32 $0xFFFFFFFF  }
0x2d: {  	_ =	strace $0x90000048  }
0x2e: {  	_ =	sfence  }
0x2f: {  	s30 =	sld [smem:$0x0];
	_ =	sdelay $0x2  }
0x30: {  	s31 =	sshll.u32 s1, $0xD;
	s1 =	sshrl.u32 s1, $0x2  }
0x31: {  	s3 =	sand.u32 $0x4000, s31;
	s1 =	sadd.s32 s1, s30  }
0x32: {  	s0 =	sor.u32 s3, s0;
	s1 =	sshll.u32 s1, $0x11  }
0x33: {  	s0 =	sor.u32 s1, s0  }
0x34: {  	s0 =	sadd.s32 $0x8F2B, s0  }
0x35: {  	[sflag:s0] =	ssyncadd.remote.s32 $0x1  }
0x36: {  	_ =	sfence.sel $0xFFFF  }
0x37: {  	[dreg:$0x0] =	wrdreg $0xFFFFFFFF;
	(pc) =	sbr.abs _section_cstart, $3  }
0x38: {  	[dreg:$0x1] =	wrdreg $0xFFFFFFFF  }
0x39: {  	_ =	task.clear_ibuf [dreg:s7], $0x2FFFF;
	_ =	strace $0x9FFFFFFF  }
0x3a: {  	(tm) =	ssettm $0x7FFFFFFF  }
0x3b: {  	_ =	shalt  }
tec
execute0_lowered:
.L_overlay_start_1:
0x0: {  	(tag) =	ssettag $0x1  }
0x1: {  	s0 =	srdreg.scid  }
0x2: {  	s1 =	sshll.u32 s0, $0x4  }
0x3: {  	s2 =	rddreg [dreg:$0x0];
	s0 =	stileid.u32;
	s1 =	sand.u32 $0x10, s1  }
0x4: {  	s4 =	rddreg [dreg:$0x1];
	s7 =	simm.s32 $0x1;
	s1 =	sor.u32 s0, s1  }
0x5: {  	s8 =	simm.s32 $0x2;
	s9 =	simm.s32 $0x0;
	s3 =	sshll.u32 s1, $0x3  }
0x6: {  	s12 =	simm.s32 $0x0;
	s11 =	simm.s32 $0x0;
	s6 =	ssub.s32 $0x1000, s3  }
.Ltmp0:
0x7: {  	s4 =	sadd.s32 $0x1400, s4;
	s5 =	sand.u32 $0xF8, s6;
	(pc) =	sbr.rel .LBB1_1-.Ltmp0, $4  }
0x8: {  	s1 =	rddreg [dreg:$0x2];
	_ =	strace $0x80000047;
	p0 =	sne.s32 s5, $0x0  }
0x9: {  	s6 =	sshrl.u32 s6, $0x8;
	s5 =	simm.s32 $0x1;
	s7 =	simm.s32 @!p0 $0x0  }
0xa: {  	s10 =	smov.u32 s3;
	[sflag:s5] =	ssyncpa.u1 $0x0;
	s6 =	sadd.s32 s7, s6  }
0xb: {  	[sflag:s8] =	ssyncpa.u1 $0x0;
	s8 =	simm.s32 $0x0;
	s7 =	sadd.s32 $0x1, s6  }
.LBB1_9:
0xc: {  	s14 =	sadd.s32 $0x100, s10  }
0xd: {  	p1 =	sgt.s32 s14, $0xFFF  }
0xe: {  	s14 =	smov.u32 @p1 s3;
	p1 =	sne.s32 s11, s7  }
.Ltmp1:
0xf: {  	p0 =	slt.u32 s11, $0x2;
	(pc) =	sbr.rel @!p1 .LBB1_10-.Ltmp1, $4  }
0x10: {  	s13 =	simm.s32 @!p0 $0x2  }
0x11: {  	s15 =	sadd.s32 $0x1, s11;
	_ =	swait.ge @!p0 [sflag:s13], $0x4000  }
0x12: {  	s12 =	smov.u32 s10;
	s9 =	sadd.s32 $0x4000, s9;
	[sflag:s13] =	ssyncset.done @!p0 $0x0  }
0x13: {  	s11 =	smov.u32 s15;
	s10 =	smov.u32 s14;
	[sflag:s13] =	ssyncadd.s32 @!p0 $0xFFFFC000  }
.LBB1_1:
0x14: {  	p0 =	sge.u32 s11, s6  }
0x15: {  	s13 =	sxor.u32 @!p0 $0xFFFFFFFF, s11  }
0x16: {  	s31 =	sadd.s32 $0xFFFFFFFF, s11;
	s14 =	sshll.u32 @!p0 s10, $0x8;
	s13 =	sshll.u32 @!p0 s13, $0xE  }
0x17: {  	s15 =	simm.s32 @!p0 $0x0;
	s14 =	sadd.s32 @!p0 s2, s14;
	s13 =	sand.u32 @!p0 $0x4000, s13  }
0x18: {  	[tilespmem:s13], [sflag:$0x1] =	stream.linear.gather @!p0 [hbm4b:s14+s15], $0x4000, $0x38;
	[tilespmem:$0x10000] =	vst v63  }
0x19: {  	p0 =	sge.u32 s31, s6  }
.Ltmp2:
0x1a: {  	_ = 	snop;
	(pc) =	sbr.rel @p0 .LBB1_9-.Ltmp2, $1  }
0x1b: {  	_ =	sdelay $0x3  }
0x1c: {  	s13 =	sshll.u32 s9, $0x2;
	_ =	swait.ge [sflag:s5], $0x4000;
	s14 =	sshll.u32 s11, $0xE  }
0x1d: {  	s16 =	simm.s32 $0x0;
	s17 =	simm.s32 $0x0;
	s15 =	sand.u32 $0x10000, s13  }
0x1e: {  	[sflag:s5] =	ssyncset.done $0x0;
	s31 =	sand.u32 $0x4000, s14;
	s14 =	sshrl.u32 s15, $0x2  }
0x1f: {  	[sflag:s5] =	ssyncadd.s32 $0xFFFFC000;
	s13 =	sor.u32 $0x8000, s31;
	s15 =	sor.u32 $0x8000, s14  }
.LBB1_3:
0x20: {  	s18 =	sshra.s32 s16, $0x2  }
0x21: {  	v0 =	vmov s18;
	_ =	sdelay $0x3  }
0x22: {  	p1 =	por $0x1, $0x1;
	s18 =	simm.s32 $0x0  }
.LBB1_4:
0x23: {  	_ = 	snop  }
0x24: {  	s19 =	sshll.u32 s18, $0xA  }
0x25: {  	s19 =	sand.u32 $0x3FFFFC00, s19  }
0x26: {  	s19 =	sadd.s32 s19, s14  }
0x27: {  	v5 =	vld.idx.msk [tilespmem:v0+s19+$0x70 ss:$0x1], $0xffff  }
0x28: {  	v6 =	vld.idx.msk [tilespmem:v0+s19+$0x10 ss:$0x1], $0xffff  }
0x29: {  	v7 =	vld.idx.msk [tilespmem:v0+s19+$0x20 ss:$0x1], $0xffff  }
0x2a: {  	s31 =	sshll.u32 s18, $0x7;
	v1 =	vld.idx.msk [tilespmem:v0+s19+$0x30 ss:$0x1], $0xffff  }
0x2b: {  	s18 =	sand.u32 $0x3FFFFF80, s31;
	v2 =	vld.idx.msk [tilespmem:v0+s19+$0x40 ss:$0x1], $0xffff  }
0x2c: {  	s18 =	sadd.s32 s18, s15;
	v3 =	vld.idx.msk [tilespmem:v0+s19+$0x50 ss:$0x1], $0xffff  }
0x2d: {  	v4 =	vld.idx.msk [tilespmem:v0+s19+$0x60 ss:$0x1], $0xffff;
	[tilespmem:v0+s18+$0x70 ss:$0x1] =	vst.idx.msk $0xffff, v5  }
0x2e: {  	v5 =	vld.idx.msk [tilespmem:v0+s19+$0x0 ss:$0x1], $0xffff;
	[tilespmem:v0+s18+$0x10 ss:$0x1] =	vst.idx.msk $0xffff, v6;
	s19 =	sadd.s32 $0x80, s19  }
0x2f: {  	p0 =	por p1, p1;
	s20 =	simm.s32 $0x6;
	[tilespmem:v0+s18+$0x20 ss:$0x1] =	vst.idx.msk $0xffff, v7;
	v6 =	vld.idx.msk [tilespmem:v0+s19+$0x70 ss:$0x1], $0xffff  }
.LBB1_5:
0x30: {  	p1 =	sne.s32 s20, $0x1;
	v7 =	vld.idx.msk [tilespmem:v0+s19+$0x10 ss:$0x1], $0xffff;
	[tilespmem:v0+s18+$0x30 ss:$0x1] =	vst.idx.msk $0xffff, v1  }
0x31: {  	v8 =	vld.idx.msk [tilespmem:v0+s19+$0x20 ss:$0x1], $0xffff;
	[tilespmem:v0+s18+$0x40 ss:$0x1] =	vst.idx.msk $0xffff, v2  }
0x32: {  	v1 =	vld.idx.msk [tilespmem:v0+s19+$0x30 ss:$0x1], $0xffff;
	[tilespmem:v0+s18+$0x50 ss:$0x1] =	vst.idx.msk $0xffff, v3  }
.Ltmp3:
0x33: {  	v2 =	vld.idx.msk [tilespmem:v0+s19+$0x40 ss:$0x1], $0xffff;
	[tilespmem:v0+s18+$0x60 ss:$0x1] =	vst.idx.msk $0xffff, v4;
	(pc) =	sbr.rel @p1 .LBB1_5-.Ltmp3, $4  }
0x34: {  	v3 =	vld.idx.msk [tilespmem:v0+s19+$0x50 ss:$0x1], $0xffff;
	[tilespmem:v0+s18+$0x0 ss:$0x1] =	vst.idx.msk $0xffff, v5;
	s18 =	sadd.s32 $0x100, s18  }
0x35: {  	v4 =	vld.idx.msk [tilespmem:v0+s19+$0x60 ss:$0x1], $0xffff;
	[tilespmem:v0+s18+$0x70 ss:$0x1] =	vst.idx.msk $0xffff, v6  }
0x36: {  	v5 =	vld.idx.msk [tilespmem:v0+s19+$0x0 ss:$0x1], $0xffff;
	[tilespmem:v0+s18+$0x10 ss:$0x1] =	vst.idx.msk $0xffff, v7;
	s19 =	sadd.s32 $0x80, s19  }
0x37: {  	s20 =	sadd.s32 $0xFFFFFFFF, s20;
	v6 =	vld.idx.msk [tilespmem:v0+s19+$0x70 ss:$0x1], $0xffff;
	[tilespmem:v0+s18+$0x20 ss:$0x1] =	vst.idx.msk $0xffff, v8  }
0x38: {  	_ =	sdelay $0x3  }
0x39: {  	[tilespmem:v0+s18+$0x30 ss:$0x1] =	vst.idx.msk $0xffff, v1  }
0x3a: {  	v1 =	vld.idx.msk [tilespmem:v0+s19+$0x10 ss:$0x1], $0xffff;
	[tilespmem:v0+s18+$0x40 ss:$0x1] =	vst.idx.msk $0xffff, v2  }
0x3b: {  	v2 =	vld.idx.msk [tilespmem:v0+s19+$0x20 ss:$0x1], $0xffff;
	[tilespmem:v0+s18+$0x50 ss:$0x1] =	vst.idx.msk $0xffff, v3  }
0x3c: {  	v61 =	vld.idx.msk [tilespmem:v0+s19+$0x40 ss:$0x1], $0xffff;
	[tilespmem:v0+s18+$0x60 ss:$0x1] =	vst.idx.msk $0xffff, v4  }
0x3d: {  	s31 =	sadd.s32 $0x100, s18;
	v62 =	vld.idx.msk [tilespmem:v0+s19+$0x50 ss:$0x1], $0xffff;
	[tilespmem:v0+s18+$0x0 ss:$0x1] =	vst.idx.msk $0xffff, v5  }
0x3e: {  	v63 =	vld.idx.msk [tilespmem:v0+s19+$0x60 ss:$0x1], $0xffff;
	[tilespmem:v0+s31+$0x70 ss:$0x1] =	vst.idx.msk $0xffff, v6  }
0x3f: {  	v3 =	vld.idx.msk [tilespmem:v0+s19+$0x30 ss:$0x1], $0xffff;
	[tilespmem:v0+s31+$0x10 ss:$0x1] =	vst.idx.msk $0xffff, v1  }
0x40: {  	v1 =	vld.idx.msk [tilespmem:v0+s19+$0x0 ss:$0x1], $0xffff;
	[tilespmem:v0+s31+$0x20 ss:$0x1] =	vst.idx.msk $0xffff, v2  }
.Ltmp4:
0x41: {  	[tilespmem:v0+s31+$0x40 ss:$0x1] =	vst.idx.msk $0xffff, v61;
	(pc) =	sbr.rel @p0 .LBB1_4-.Ltmp4, $4  }
0x42: {  	[tilespmem:v0+s31+$0x50 ss:$0x1] =	vst.idx.msk $0xffff, v62  }
0x43: {  	[tilespmem:v0+s31+$0x60 ss:$0x1] =	vst.idx.msk $0xffff, v63  }
0x44: {  	[tilespmem:v0+s31+$0x30 ss:$0x1] =	vst.idx.msk $0xffff, v3  }
0x45: {  	p1 =	por $0x0, $0x0;
	s18 =	simm.s32 $0x1;
	[tilespmem:v0+s31+$0x0 ss:$0x1] =	vst.idx.msk $0xffff, v1  }
0x46: {  	s17 =	sadd.s32 $0x1, s17  }
0x47: {  	p0 =	sne.s32 s17, $0x8  }
.Ltmp5:
0x48: {  	_ = 	snop;
	(pc) =	sbr.rel @p0 .LBB1_3-.Ltmp5, $2  }
0x49: {  	_ =	sdelay $0x2  }
0x4a: {  	s16 =	sadd.s32 $0x2000, s16  }
.Ltmp6:
0x4b: {  	(pc) =	sbr.rel .LBB1_9-.Ltmp6, $4  }
0x4c: {  	_ = 	snop  }
0x4d: {  	s12 =	sshll.u32 s12, $0x8  }
0x4e: {  	s12 =	sadd.s32 s4, s12  }
0x4f: {  	[hbm4b:s12+s8] =	stream.linear.scatter [tilespmem:s13], [sflag:$0x2], $0x4000, $0x38;
	[tilespmem:$0x10000] =	vst v63  }
.LBB1_10:
0x50: {  	_ =	sfence.sel $0x180000  }
0x51: {  	s2 =	simm.s32 $0x1;
	[bflag:$0x0] =	sbarrier.arrive $0xFFFF  }
0x52: {  	s31 =	simm.s32 $0x2;
	[sflag:s2] =	ssyncpa.u1 $0x1  }
0x53: {  	[sflag:s31] =	ssyncpa.u1 $0x1  }
0x54: {  	p0 =	sne.s32 s0, $0x0;
	_ =	strace $0x90000047  }
0x55: {  	s0 =	sadd.s32 @!p0 $0x100000, s1;
	[bflag:$0x2] =	sbarrier.arrive $0xFFFF  }
0x56: {  	[sflag:s0] =	ssyncadd.tile.s32 @!p0 $0x1;
	_ =	shalt  }
.Lfunc_end1:
_tile_overlayer_lowered:
.L_overlay_start_2:
0x57: {  	(tag) =	ssettag $0x2  }
0x58: {  	s0 =	rddreg [dreg:$0x0];
	s2 =	stileid.u32  }
0x59: {  	s1 =	rddreg [dreg:$0x1];
	p0 =	sne.s32 s2, $0x0  }
0x5a: {  	s3 =	rddreg [dreg:$0x2];
	[bflag:$0x3] =	sbarrier.arrive $0xFFFF;
	s2 =	simm.s32 @!p0 $0x1C01  }
0x5b: {  	[timem:s3], [sflag:s2] =	dma.local @!p0 [hbm:s0], s1  }
0x5c: {  	s0 =	simm.s32 @!p0 $0x1  }
0x5d: {  	_ =	swait.ge @!p0 [sflag:s0], s1  }
0x5e: {  	s1 =	ssub.s32 @!p0 $0x0, s1;
	[sflag:s0] =	ssyncset.done @!p0 $0x0  }
0x5f: {  	[sflag:s0] =	ssyncadd.s32 @!p0 s1  }
0x60: {  	[bflag:$0x3] =	sbarrier.arrive $0xFFFF  }
0x61: {  	_ =	shalt  }

// kernel: sparse-core-data-format-call.cloned.1.call-start
scs
called_computation_lowered:
.L_overlay_start_0:
0x0: {  	s2 =	sld [smem:$0x3FD9]  }
0x1: {  	s3 =	sld [smem:$0x3FFE];
	_ =	sdelay $0x1  }
0x2: {  	s1 =	srdreg.scid  }
0x3: {  	s0 =	sand.u32 $0x1, s1  }
0x4: {  	s18 =	sshll.u32 s0, $0xA;
	s2 =	sadd.s32 s3, s2  }
0x5: {  	s2 =	sadd.s32 s2, s18  }
0x6: {  	[smem:$0x3FC5] =	sst s2  }
0x7: {  	_ = 	snop  }
0x8: {  	s2 =	sld [smem:$0x3FD0];
	(tm) =	ssettm $0x1  }
0x9: {  	s19 =	sld [smem:$0x3FFB];
	_ =	sdelay $0x3  }
0xa: {  	_ =	strace s19  }
0xb: {  	s3 =	sld [smem:$0x3FFC];
	_ =	sdelay $0x3  }
0xc: {  	_ =	strace s3  }
0xd: {  	s3 =	sld [smem:$0x3FFD];
	_ =	sdelay $0x3  }
0xe: {  	_ =	strace s3  }
0xf: {  	_ =	strace $0x8FFFFFFF  }
0x10: {  	s20 =	sld [smem:$0x3FDB];
	_ =	sdelay $0x1  }
0x11: {  	s4 =	simm.s32 $_scs_section_size  }
0x12: {  	s5 =	simm.s32 $_size__tile_overlayer_lowered;
	s6 =	simm.s32 $_tile_overlayer_lowered  }
0x13: {  	s23 =	simm.s32 $0x1BFF;
	s22 =	sshll.u32 s6, $0x1;
	s3 =	sadd.s32 s4, s20  }
0x14: {  	s7 =	simm.s32 $0x0;
	s21 =	sshll.u32 s5, $0x1;
	s5 =	sadd.s32 s22, s3  }
0x15: {  	[timem:s7], [sflag:s23] =	dma.local [hbm:s5], s21  }
0x16: {  	_ =	swait.ge [sflag:s23], s21  }
0x17: {  	s4 =	ssub.s32 $0x0, s21;
	[sflag:s23] =	ssyncset.done $0x0  }
0x18: {  	[sflag:s23] =	ssyncadd.s32 s4;
	_ =	sdelay $0x1  }
0x19: {  	s24 =	simm.s32 $0x1B8B  }
0x1a: {  	_ =	swait.ge [sflag:s24], $0x1  }
0x1b: {  	[sflag:s24] =	ssyncset.done $0x0  }
0x1c: {  	s26 =	simm.s32 $0x1B8E;
	s25 =	sld [smem:$0x3FFE];
	[sflag:s24] =	ssyncadd.s32 $0xFFFFFFFF  }
0x1d: {  	s27 =	simm.s32 $execute0_lowered;
	[smem:$0x3FD2] =	sst s26  }
0x1e: {  	s5 =	sshll.u32 s27, $0x1;
	_ =	strace $0x8000004C;
	[dreg:$0x1] =	wrdreg $0xFFFFFFFF  }
0x1f: {  	s28 =	simm.s32 $_size_execute0_lowered;
	s3 =	sadd.s32 s3, s5;
	[dreg:$0x0] =	wrdreg $0x0  }
0x20: {  	s5 =	sshll.u32 s28, $0x1;
	[dreg:$0x2] =	wrdreg s3  }
0x21: {  	[dreg:$0x3] =	wrdreg s5  }
0x22: {  	[dreg:$0x4] =	wrdreg $0xC0  }
0x23: {  	_ =	task [dreg:s7], $0x5FFFF  }
0x24: {  	[dreg:$0x1] =	wrdreg $0xFFFFFFFF  }
0x25: {  	[dreg:$0x0] =	wrdreg $0x60  }
0x26: {  	[dreg:$0x2] =	wrdreg s25  }
0x27: {  	[dreg:$0x3] =	wrdreg s2  }
0x28: {  	[dreg:$0x4] =	wrdreg $0x9  }
0x29: {  	_ =	task.clear_ibuf [dreg:s7], $0x5FFFF;
	_ =	strace $0x9000004C  }
0x2a: {  	s29 =	simm.s32 $0x9;
	_ =	strace $0x8000004E  }
0x2b: {  	_ =	swait.ge [sflag:s29], $0x1  }
0x2c: {  	[sflag:s29] =	ssyncadd.s32 $0xFFFFFFFF  }
0x2d: {  	_ =	strace $0x9000004E  }
0x2e: {  	_ =	sfence  }
0x2f: {  	s30 =	sld [smem:$0x0];
	_ =	sdelay $0x2  }
0x30: {  	s31 =	sshll.u32 s1, $0xD;
	s1 =	sshrl.u32 s1, $0x2  }
0x31: {  	s3 =	sand.u32 $0x4000, s31;
	s1 =	sadd.s32 s1, s30  }
0x32: {  	s0 =	sor.u32 s3, s0;
	s1 =	sshll.u32 s1, $0x11  }
0x33: {  	s0 =	sor.u32 s1, s0  }
0x34: {  	s0 =	sadd.s32 $0x8F2B, s0  }
0x35: {  	[sflag:s0] =	ssyncadd.remote.s32 $0x1  }
0x36: {  	_ =	sfence.sel $0xFFFF  }
0x37: {  	[dreg:$0x0] =	wrdreg $0xFFFFFFFF;
	(pc) =	sbr.abs _section_cstart, $3  }
0x38: {  	[dreg:$0x1] =	wrdreg $0xFFFFFFFF  }
0x39: {  	_ =	task.clear_ibuf [dreg:s7], $0x2FFFF;
	_ =	strace $0x9FFFFFFF  }
0x3a: {  	(tm) =	ssettm $0x7FFFFFFF  }
0x3b: {  	_ =	shalt  }
tec
execute0_lowered:
.L_overlay_start_1:
0x0: {  	(tag) =	ssettag $0x1  }
0x1: {  	s3 =	rddreg [dreg:$0x0]  }
0x2: {  	s0 =	srdreg.scid;
	s1 =	rddreg [dreg:$0x1]  }
0x3: {  	s5 =	simm.s32 $0x1;
	s7 =	simm.s32 $0x2;
	s14 =	simm.s32 $0x0  }
0x4: {  	p0 =	por $0x0, $0x0;
	s8 =	simm.s32 $0x800;
	s0 =	sshll.u32 s0, $0x7  }
0x5: {  	s13 =	simm.s32 $0x0;
	s15 =	simm.s32 $0x0;
	s2 =	sand.u32 $0x80, s0  }
0x6: {  	s9 =	simm.s32 $0x0;
	s11 =	stileid.u32;
	s6 =	ssub.s32 $0x100, s2  }
.Ltmp0:
0x7: {  	s12 =	simm.s32 $0x0;
	s31 =	sshrl.u32 s6, $0x7;
	(pc) =	sbr.rel .LBB1_1-.Ltmp0, $4  }
0x8: {  	s4 =	sadd.s32 $0x1400, s3;
	s6 =	sshrl.u32 s6, $0x8;
	s3 =	sand.u32 $0x1, s31  }
0x9: {  	s0 =	rddreg [dreg:$0x2];
	_ =	strace $0x8000004D;
	s6 =	sadd.s32 s6, s3  }
0xa: {  	[sflag:s5] =	ssyncpa.u1 $0x0;
	s10 =	smov.u32 s2;
	s6 =	sshll.u32 s6, $0x6  }
0xb: {  	[sflag:s7] =	ssyncpa.u1 $0x0;
	s3 =	stileid.u32;
	s7 =	sor.u32 $0x1, s6  }
.LBB1_4:
0xc: {  	s15 =	sshll.u32 s15, $0x11  }
0xd: {  	s18 =	sand.u32 $0x780, s13;
	s14 =	sshll.u32 s14, $0xB;
	s15 =	sadd.s32 s1, s15  }
0xe: {  	[tilespmem:s17+$0x810 ss:$0x81] =	vst.msk $0xffff, v2;
	s19 =	sshrl.u32 s13, $0x3;
	s30 =	sand.u32 $0x7, s13;
	s15 =	sadd.s32 s18, s15  }
0xf: {  	[tilespmem:s17+$0x1020 ss:$0x81] =	vst.msk $0xffff, v0;
	s31 =	sand.u32 $0xF, s19;
	s13 =	sshll.u32 s30, $0x12;
	s14 =	sadd.s32 s14, s15  }
0x10: {  	[tilespmem:s17+$0x0 ss:$0x81] =	vst.msk $0xffff, v1;
	s13 =	sor.u32 $0x400, s13;
	s14 =	sadd.s32 s31, s14  }
0x11: {  	[hbm4b:s14+s13] =	stream.strided.scatter [tilespmem:s16], [sflag:$0x2], $0x2000, s8, s13, $0x20;
	[tilespmem:$0x8080] =	vst v63  }
.LBB1_5:
0x12: {  	s16 =	sadd.s32 $0x1, s9  }
0x13: {  	s13 =	sadd.s32 $0x100, s10;
	s17 =	smov.u32 s10;
	p2 =	sgt.s32 s16, $0x3F  }
0x14: {  	s17 =	smov.u32 @p2 s13  }
0x15: {  	s19 =	smov.u32 s11;
	s13 =	sadd.s32 $0x10, s11;
	p3 =	sgt.s32 s17, $0xFF  }
0x16: {  	s19 =	smov.u32 @p3 s13  }
0x17: {  	s16 =	simm.s32 @p2 $0x0;
	p2 =	sgt.s32 s19, $0xF  }
0x18: {  	p1 =	slt.u32 s12, $0x2;
	s19 =	smov.u32 @p2 s3;
	p2 =	sne.s32 s12, s7  }
.Ltmp1:
0x19: {  	s18 =	simm.s32 @!p1 $0x2;
	(pc) =	sbr.rel @!p2 .LBB1_6-.Ltmp1, $4  }
0x1a: {  	s14 =	smov.u32 s9;
	s15 =	smov.u32 s11;
	_ =	swait.ge @!p1 [sflag:s18], $0x2000  }
0x1b: {  	p0 =	por !p0, !p0;
	[sflag:s18] =	ssyncset.done @!p1 $0x0;
	s9 =	smov.u32 s16  }
0x1c: {  	s17 =	smov.u32 @p3 s2;
	s13 =	smov.u32 s10;
	[sflag:s18] =	ssyncadd.s32 @!p1 $0xFFFFE000  }
0x1d: {  	s10 =	smov.u32 s17;
	s12 =	sadd.s32 $0x1, s12;
	s11 =	smov.u32 s19  }
.LBB1_1:
0x1e: {  	p1 =	sge.u32 s12, s6;
	s31 =	sadd.s32 $0xFFFFFFFF, s12  }
0x1f: {  	s16 =	sxor.u32 @!p1 $0xFFFFFFFF, s12;
	s17 =	sshll.u32 @!p1 s11, $0x12;
	s18 =	sshll.u32 @!p1 s10, $0xA  }
0x20: {  	s19 =	sshll.u32 @!p1 s9, $0x4;
	s16 =	sshll.u32 @!p1 s16, $0xD;
	s17 =	sadd.s32 @!p1 s4, s17  }
0x21: {  	s19 =	sand.u32 @!p1 $0x3F0, s19;
	s16 =	sand.u32 @!p1 $0x2000, s16;
	s17 =	sadd.s32 @!p1 s18, s17  }
0x22: {  	s18 =	simm.s32 @!p1 $0x40;
	s17 =	sadd.s32 @!p1 s19, s17;
	s19 =	simm.s32 @!p1 $0x2000  }
0x23: {  	[tilespmem:s16], [sflag:$0x1] =	stream.strided.gather @!p1 [hbm4b:s17+s18], $0x2000, s19, s18, $0x38;
	[tilespmem:$0x8080] =	vst v63  }
0x24: {  	p1 =	sge.u32 s31, s6  }
.Ltmp2:
0x25: {  	_ = 	snop;
	(pc) =	sbr.rel @p1 .LBB1_5-.Ltmp2, $1  }
0x26: {  	_ =	sdelay $0x3  }
0x27: {  	s16 =	simm.s32 $0x1  }
0x28: {  	_ =	swait.ge [sflag:s5], $0x2000;
	s16 =	simm.s32 @!p0 $0x0  }
0x29: {  	[sflag:s5] =	ssyncset.done $0x0;
	s17 =	sshll.u32 s16, $0xD  }
0x2a: {  	[sflag:s5] =	ssyncadd.s32 $0xFFFFE000;
	s20 =	sor.u32 $0x20, s17  }
0x2b: {  	s16 =	smul.u32 $0x8100, s16;
	v3 =	vld [tilespmem:s20+$0x10]  }
0x2c: {  	s30 =	sand.u32 $0x1, s12;
	v2 =	vld [tilespmem:s20+$0xFFFFFFF0]  }
0x2d: {  	s17 =	smul.u32 $0x8100, s30;
	s16 =	sshrl.u32 s16, $0x2;
	v0 =	vld [tilespmem:s20+$0x0]  }
0x2e: {  	v1 =	vld [tilespmem:s20+$0xFFFFFFE0];
	s18 =	sor.u32 $0x4000, s16  }
0x2f: {  	s31 =	sshrl.u32 s17, $0x2;
	s17 =	sadd.s32 $0x0, s18  }
0x30: {  	s19 =	simm.s32 $0x4;
	s20 =	sadd.s32 $0x40, s20;
	s16 =	sor.u32 $0x4000, s31;
	[tilespmem:s17+$0x1830 ss:$0x81] =	vst.msk $0xffff, v3  }
.LBB1_3:
0x31: {  	v3 =	vld [tilespmem:s20+$0x10];
	p1 =	sne.s32 s19, $0x1FC;
	[tilespmem:s17+$0x810 ss:$0x81] =	vst.msk $0xffff, v2;
	s21 =	smov.u32 s19;
	s19 =	sadd.s32 $0x4, s19  }
.Ltmp3:
0x32: {  	v2 =	vld [tilespmem:s20+$0xFFFFFFF0];
	[tilespmem:s17+$0x1020 ss:$0x81] =	vst.msk $0xffff, v0;
	(pc) =	sbr.rel @p1 .LBB1_3-.Ltmp3, $4  }
0x33: {  	v0 =	vld [tilespmem:s20+$0x0];
	[tilespmem:s17+$0x0 ss:$0x81] =	vst.msk $0xffff, v1  }
0x34: {  	s17 =	sshra.s32 s21, $0x2;
	v1 =	vld [tilespmem:s20+$0xFFFFFFE0]  }
0x35: {  	s17 =	sadd.s32 s17, s18  }
0x36: {  	s20 =	sadd.s32 $0x40, s20;
	[tilespmem:s17+$0x1830 ss:$0x81] =	vst.msk $0xffff, v3  }
.Ltmp4:
0x37: {  	_ = 	snop;
	(pc) =	sbr.rel .LBB1_4-.Ltmp4, $1  }
0x38: {  	_ =	sdelay $0x3  }
.LBB1_6:
0x39: {  	_ =	sfence.sel $0x180000  }
0x3a: {  	s1 =	simm.s32 $0x1;
	[bflag:$0x0] =	sbarrier.arrive $0xFFFF  }
0x3b: {  	s31 =	simm.s32 $0x2;
	[sflag:s1] =	ssyncpa.u1 $0x1  }
0x3c: {  	[sflag:s31] =	ssyncpa.u1 $0x1  }
0x3d: {  	p0 =	sne.s32 s3, $0x0;
	_ =	strace $0x9000004D  }
0x3e: {  	s0 =	sadd.s32 @!p0 $0x100000, s0;
	[bflag:$0x2] =	sbarrier.arrive $0xFFFF  }
0x3f: {  	[sflag:s0] =	ssyncadd.tile.s32 @!p0 $0x1;
	_ =	shalt  }
.Lfunc_end1:
_tile_overlayer_lowered:
.L_overlay_start_2:
0x40: {  	(tag) =	ssettag $0x2  }
0x41: {  	s0 =	rddreg [dreg:$0x0];
	s2 =	stileid.u32  }
0x42: {  	s1 =	rddreg [dreg:$0x1];
	p0 =	sne.s32 s2, $0x0  }
0x43: {  	s3 =	rddreg [dreg:$0x2];
	[bflag:$0x3] =	sbarrier.arrive $0xFFFF;
	s2 =	simm.s32 @!p0 $0x1C01  }
0x44: {  	[timem:s3], [sflag:s2] =	dma.local @!p0 [hbm:s0], s1  }
0x45: {  	s0 =	simm.s32 @!p0 $0x1  }
0x46: {  	_ =	swait.ge @!p0 [sflag:s0], s1  }
0x47: {  	s1 =	ssub.s32 @!p0 $0x0, s1;
	[sflag:s0] =	ssyncset.done @!p0 $0x0  }
0x48: {  	[sflag:s0] =	ssyncadd.s32 @!p0 s1  }
0x49: {  	[bflag:$0x3] =	sbarrier.arrive $0xFFFF  }
0x4a: {  	_ =	shalt  }

</sc_bundles>
